<compile_context>
chip_gen: v7x
topology: tpu7x:2x2x1
jax: 0.10.2.dev20260603
libtpu: 0.0.44.dev20260713+nightly
codegen_flags: <defaults>
</compile_context>

<pallas_src>
import functools

import jax
import jax.numpy as jnp
from jax import lax
from jax.experimental import pallas as pl
from jax.experimental.pallas import tpu as pltpu
from jax.experimental.pallas import tpu_sc as plsc

N_FIELDS = 26
VOCAB = 100000
DIM = 32
BATCH = 16384

NC, NS, L = 2, 16, 16
NW = NC * NS
STRIPE = 4096
N_STRIPES = BATCH // STRIPE
UNROLL = 16


def _make_sc_gather():
    mesh = plsc.VectorSubcoreMesh(core_axis_name="c", subcore_axis_name="s")

    @functools.partial(
        pl.kernel,
        mesh=mesh,
        out_type=jax.ShapeDtypeStruct((N_FIELDS * DIM, BATCH), jnp.float32),
        compiler_params=pltpu.CompilerParams(needs_layout_passes=False),
        scratch_types=[
            pltpu.VMEM((VOCAB,), jnp.float32),
            pltpu.VMEM((2, STRIPE), jnp.int32),
            pltpu.VMEM((2, STRIPE), jnp.float32),
            pltpu.SemaphoreType.DMA,
            pltpu.SemaphoreType.DMA,
            pltpu.SemaphoreType.DMA,
        ],
    )
    def gather_kernel(table_hbm, xt_hbm, out_hbm, plane_v, idx_v, out_v,
                      isem, osem, psem):
        d = lax.axis_index("s") * NC + lax.axis_index("c")

        def do_field(f, carry):
            p = f * DIM + d
            pltpu.async_copy(xt_hbm.at[f, pl.ds(0, STRIPE)], idx_v.at[0],
                             isem)
            pltpu.async_copy(table_hbm.at[f, d], plane_v, psem)
            pltpu.make_async_copy(table_hbm.at[f, d], plane_v, psem).wait()
            for s in range(N_STRIPES):
                b = s % 2
                pltpu.make_async_copy(
                    xt_hbm.at[f, pl.ds(s * STRIPE, STRIPE)], idx_v.at[b],
                    isem).wait()
                if s + 1 < N_STRIPES:
                    pltpu.async_copy(
                        xt_hbm.at[f, pl.ds((s + 1) * STRIPE, STRIPE)],
                        idx_v.at[1 - b], isem)
                if s >= 2:
                    pltpu.make_async_copy(
                        out_v.at[b],
                        out_hbm.at[p, pl.ds((s - 2) * STRIPE, STRIPE)],
                        osem).wait()
                else:
                    @pl.when(f > 0)
                    def _wait_prev_field():
                        pltpu.make_async_copy(
                            out_v.at[b], out_hbm.at[p, pl.ds(0, STRIPE)],
                            osem).wait()

                def do_vec(i, c):
                    base = i * (L * UNROLL)
                    for u in range(UNROLL):
                        off = base + u * L
                        idx16 = idx_v[b, pl.ds(off, L)]
                        out_v[b, pl.ds(off, L)] = plsc.load_gather(
                            plane_v, [idx16])
                    return c

                lax.fori_loop(0, STRIPE // (L * UNROLL), do_vec, 0)
                pltpu.async_copy(out_v.at[b],
                                 out_hbm.at[p, pl.ds(s * STRIPE, STRIPE)],
                                 osem)
            return carry

        lax.fori_loop(0, N_FIELDS, do_field, 0)
        pltpu.make_async_copy(out_v.at[0], out_hbm.at[0, pl.ds(0, STRIPE)],
                              osem).wait()
        pltpu.make_async_copy(out_v.at[1], out_hbm.at[0, pl.ds(0, STRIPE)],
                              osem).wait()

    return gather_kernel


_sc_gather = _make_sc_gather()


def kernel(X, tables):
    table_t = tables.transpose(0, 2, 1)
    x_t = X.T
    out_t = _sc_gather(table_t, x_t)
    return out_t.T.reshape(BATCH, N_FIELDS * DIM)

# --- scband reference (transcript-rebuilt; emitter-appended) ---
"""Pipeline reference for scband-state-tracker-base-3539053051961 (READ-ONLY COPY).

The authoritative reference and input builder live on the scoring server;
editing this copy changes nothing except your own understanding.
"""

import jax, jax.numpy as jnp
import numpy as np

N_FIELDS = 26
VOCAB = 100000
DIM = 32
BATCH = 16384
INIT_STD = 0.0001

def setup_inputs(seed: int = 0) -> dict:
    key = jax.random.key(seed)
    k1, k2 = jax.random.split(key)
    # embedding_dict: one table per sparse feature column, normal(0, init_std) init
    tables = jax.random.normal(k1, (N_FIELDS, VOCAB, DIM), dtype=jnp.float32) * INIT_STD
    # X holds the sparse feature indices, one column per feature (the original passes
    # a float matrix and casts slices to .long(); we carry ints directly)
    X = jax.random.randint(k2, (BATCH, N_FIELDS), 0, VOCAB, dtype=jnp.int32)
    return {"X": X, "tables": tables}

def reference(X, tables):
    # get_embedding(X, 'action') with has_action_embedding=False:
    # for each sparse feature column, gather its embedding row:
    #   embedding_dict[feat.embedding_name](X[:, idx0:idx1].long())  -> [B, 1, D]
    # then combined_dnn_input concatenates along the last dim and flattens -> [B, F*D]
    field_ids = jnp.arange(tables.shape[0])[None, :]          # [1, F]
    emb = tables[field_ids, X]                                # gather -> [B, F, D]
    new_X = emb.reshape(emb.shape[0], -1)                     # [B, F*D]
    return new_X

if __name__ == "__main__":
    import jax
    _d = setup_inputs()
    print(jax.jit(kernel)(*tuple(_d.values())))

</pallas_src>

<mosaic_0001>
#map = affine_map<(d0, d1) -> (0, 0, 0)>
#map1 = affine_map<(d0, d1) -> (0, 0)>
module attributes {stable_mosaic.version = 14 : i64} {
  func.func @gather_kernel(%arg0: i32, %arg1: i32, %arg2: memref<26x32x100000xf32, #tpu.memory_space<hbm>>, %arg3: memref<26x16384xi32, #tpu.memory_space<hbm>>, %arg4: memref<832x16384xf32, #tpu.memory_space<hbm>>, %arg5: memref<100000xf32, #tpu.memory_space<vmem>>, %arg6: memref<2x4096xi32, #tpu.memory_space<vmem>>, %arg7: memref<2x4096xf32, #tpu.memory_space<vmem>>, %arg8: memref<!tpu.dma_semaphore, #tpu.memory_space<semaphore_mem>>, %arg9: memref<!tpu.dma_semaphore, #tpu.memory_space<semaphore_mem>>, %arg10: memref<!tpu.dma_semaphore, #tpu.memory_space<semaphore_mem>>) attributes {dimension_semantics = [#tpu.dimension_semantics<core_parallel>, #tpu.dimension_semantics<subcore_parallel>], iteration_bounds = array<i64: 2, 16>, scalar_prefetch = 0 : i64, scratch_operands = 6 : i64, tpu.core_type = #tpu.core_type<sc_vector_subcore>, window_params = [{transform_indices = #map}, {transform_indices = #map1}, {transform_indices = #map1}]} {
    %mul3A = arith.constant 2 : i32
    %mul3A_0 = arith.muli %arg1, %mul3A : i32
    %add3A = arith.addi %mul3A_0, %arg0 : i32
    %scan3A = arith.constant 0 : i32
    %scan3A_1 = arith.constant 0 : i32
    %scan3A_2 = arith.constant 26 : i32
    %scan3A_3 = arith.addi %scan3A_1, %scan3A_2 : i32
    %scan3A_4 = arith.constant 1 : i32
    scf.for %scan3A_33 = %scan3A_1 to %scan3A_3 step %scan3A_4  : i32 {
      %mul3A_34 = arith.constant 32 : i32
      %mul3A_35 = arith.muli %scan3A_33, %mul3A_34 : i32
      %add3A_36 = arith.addi %mul3A_35, %add3A : i32
      %dma_start3A = arith.constant 0 : i32
      %dma_start3A_37 = arith.constant 0 : i32
      %dma_start3A_38 = tpu.memref_slice %arg6[%dma_start3A, %dma_start3A_37] : memref<2x4096xi32, #tpu.memory_space<vmem>> -> memref<1x4096xi32, #tpu.memory_space<vmem>>
      %dma_start3A_39 = tpu.memref_squeeze %dma_start3A_38 : memref<1x4096xi32, #tpu.memory_space<vmem>> -> memref<4096xi32, #tpu.memory_space<vmem>>
      %dma_start3A_40 = arith.constant 0 : i32
      %dma_start3A_41 = tpu.memref_slice %arg3[%scan3A_33, %dma_start3A_40] : memref<26x16384xi32, #tpu.memory_space<hbm>> -> memref<1x4096xi32, #tpu.memory_space<hbm>>
      %dma_start3A_42 = tpu.memref_squeeze %dma_start3A_41 : memref<1x4096xi32, #tpu.memory_space<hbm>> -> memref<4096xi32, #tpu.memory_space<hbm>>
      %dma_start3A_43 = arith.constant 0 : i32
      %dma_start3A_44 = tpu.memref_slice %arg6[%dma_start3A, %dma_start3A_43] : memref<2x4096xi32, #tpu.memory_space<vmem>> -> memref<1x4096xi32, #tpu.memory_space<vmem>>
      %dma_start3A_45 = tpu.memref_squeeze %dma_start3A_44 : memref<1x4096xi32, #tpu.memory_space<vmem>> -> memref<4096xi32, #tpu.memory_space<vmem>>
      %dma_start3A_46 = arith.constant 0 : i32
      %dma_start3A_47 = tpu.memref_slice %arg3[%scan3A_33, %dma_start3A_46] : memref<26x16384xi32, #tpu.memory_space<hbm>> -> memref<1x4096xi32, #tpu.memory_space<hbm>>
      %dma_start3A_48 = tpu.memref_squeeze %dma_start3A_47 : memref<1x4096xi32, #tpu.memory_space<hbm>> -> memref<4096xi32, #tpu.memory_space<hbm>>
      tpu.enqueue_dma source(%dma_start3A_48 : memref<4096xi32, #tpu.memory_space<hbm>>) target(%dma_start3A_45 : memref<4096xi32, #tpu.memory_space<vmem>>) target_semaphore(%arg8 : memref<!tpu.dma_semaphore, #tpu.memory_space<semaphore_mem>>)
      %dma_start3A_49 = arith.constant 0 : i32
      %dma_start3A_50 = tpu.memref_slice %arg2[%scan3A_33, %add3A, %dma_start3A_49] : memref<26x32x100000xf32, #tpu.memory_space<hbm>> -> memref<1x1x100000xf32, #tpu.memory_space<hbm>>
      %dma_start3A_51 = tpu.memref_squeeze %dma_start3A_50 : memref<1x1x100000xf32, #tpu.memory_space<hbm>> -> memref<100000xf32, #tpu.memory_space<hbm>>
      %dma_start3A_52 = arith.constant 0 : i32
      %dma_start3A_53 = tpu.memref_slice %arg2[%scan3A_33, %add3A, %dma_start3A_52] : memref<26x32x100000xf32, #tpu.memory_space<hbm>> -> memref<1x1x100000xf32, #tpu.memory_space<hbm>>
      %dma_start3A_54 = tpu.memref_squeeze %dma_start3A_53 : memref<1x1x100000xf32, #tpu.memory_space<hbm>> -> memref<100000xf32, #tpu.memory_space<hbm>>
      tpu.enqueue_dma source(%dma_start3A_54 : memref<100000xf32, #tpu.memory_space<hbm>>) target(%arg5 : memref<100000xf32, #tpu.memory_space<vmem>>) target_semaphore(%arg10 : memref<!tpu.dma_semaphore, #tpu.memory_space<semaphore_mem>>)
      %dma_wait3A_55 = arith.constant 0 : i32
      %dma_wait3A_56 = tpu.memref_slice %arg2[%scan3A_33, %add3A, %dma_wait3A_55] : memref<26x32x100000xf32, #tpu.memory_space<hbm>> -> memref<1x1x100000xf32, #tpu.memory_space<hbm>>
      %dma_wait3A_57 = tpu.memref_squeeze %dma_wait3A_56 : memref<1x1x100000xf32, #tpu.memory_space<hbm>> -> memref<100000xf32, #tpu.memory_space<hbm>>
      %dma_wait3A_58 = arith.constant 0 : i32
      %dma_wait3A_59 = tpu.memref_slice %arg2[%scan3A_33, %add3A, %dma_wait3A_58] : memref<26x32x100000xf32, #tpu.memory_space<hbm>> -> memref<1x1x100000xf32, #tpu.memory_space<hbm>>
      %dma_wait3A_60 = tpu.memref_squeeze %dma_wait3A_59 : memref<1x1x100000xf32, #tpu.memory_space<hbm>> -> memref<100000xf32, #tpu.memory_space<hbm>>
      tpu.wait_dma2 semaphore(%arg10 : memref<!tpu.dma_semaphore, #tpu.memory_space<semaphore_mem>>) src(%dma_wait3A_60 : memref<100000xf32, #tpu.memory_space<hbm>>) dst(%arg5 : memref<100000xf32, #tpu.memory_space<vmem>>)
      %dma_wait3A_61 = arith.constant 0 : i32
      %dma_wait3A_62 = arith.constant 0 : i32
      %dma_wait3A_63 = tpu.memref_slice %arg6[%dma_wait3A_61, %dma_wait3A_62] : memref<2x4096xi32, #tpu.memory_space<vmem>> -> memref<1x4096xi32, #tpu.memory_space<vmem>>
      %dma_wait3A_64 = tpu.memref_squeeze %dma_wait3A_63 : memref<1x4096xi32, #tpu.memory_space<vmem>> -> memref<4096xi32, #tpu.memory_space<vmem>>
      %dma_wait3A_65 = arith.constant 0 : i32
      %dma_wait3A_66 = tpu.memref_slice %arg3[%scan3A_33, %dma_wait3A_65] : memref<26x16384xi32, #tpu.memory_space<hbm>> -> memref<1x4096xi32, #tpu.memory_space<hbm>>
      %dma_wait3A_67 = tpu.memref_squeeze %dma_wait3A_66 : memref<1x4096xi32, #tpu.memory_space<hbm>> -> memref<4096xi32, #tpu.memory_space<hbm>>
      %dma_wait3A_68 = arith.constant 0 : i32
      %dma_wait3A_69 = tpu.memref_slice %arg6[%dma_wait3A_61, %dma_wait3A_68] : memref<2x4096xi32, #tpu.memory_space<vmem>> -> memref<1x4096xi32, #tpu.memory_space<vmem>>
      %dma_wait3A_70 = tpu.memref_squeeze %dma_wait3A_69 : memref<1x4096xi32, #tpu.memory_space<vmem>> -> memref<4096xi32, #tpu.memory_space<vmem>>
      %dma_wait3A_71 = arith.constant 0 : i32
      %dma_wait3A_72 = tpu.memref_slice %arg3[%scan3A_33, %dma_wait3A_71] : memref<26x16384xi32, #tpu.memory_space<hbm>> -> memref<1x4096xi32, #tpu.memory_space<hbm>>
      %dma_wait3A_73 = tpu.memref_squeeze %dma_wait3A_72 : memref<1x4096xi32, #tpu.memory_space<hbm>> -> memref<4096xi32, #tpu.memory_space<hbm>>
      tpu.wait_dma2 semaphore(%arg8 : memref<!tpu.dma_semaphore, #tpu.memory_space<semaphore_mem>>) src(%dma_wait3A_73 : memref<4096xi32, #tpu.memory_space<hbm>>) dst(%dma_wait3A_70 : memref<4096xi32, #tpu.memory_space<vmem>>)
      %dma_start3A_74 = arith.constant 1 : i32
      %dma_start3A_75 = arith.constant 0 : i32
      %dma_start3A_76 = tpu.memref_slice %arg6[%dma_start3A_74, %dma_start3A_75] : memref<2x4096xi32, #tpu.memory_space<vmem>> -> memref<1x4096xi32, #tpu.memory_space<vmem>>
      %dma_start3A_77 = tpu.memref_squeeze %dma_start3A_76 : memref<1x4096xi32, #tpu.memory_space<vmem>> -> memref<4096xi32, #tpu.memory_space<vmem>>
      %dma_start3A_78 = arith.constant 4096 : i32
      %dma_start3A_79 = tpu.memref_slice %arg3[%scan3A_33, %dma_start3A_78] : memref<26x16384xi32, #tpu.memory_space<hbm>> -> memref<1x4096xi32, #tpu.memory_space<hbm>>
      %dma_start3A_80 = tpu.memref_squeeze %dma_start3A_79 : memref<1x4096xi32, #tpu.memory_space<hbm>> -> memref<4096xi32, #tpu.memory_space<hbm>>
      %dma_start3A_81 = arith.constant 0 : i32
      %dma_start3A_82 = tpu.memref_slice %arg6[%dma_start3A_74, %dma_start3A_81] : memref<2x4096xi32, #tpu.memory_space<vmem>> -> memref<1x4096xi32, #tpu.memory_space<vmem>>
      %dma_start3A_83 = tpu.memref_squeeze %dma_start3A_82 : memref<1x4096xi32, #tpu.memory_space<vmem>> -> memref<4096xi32, #tpu.memory_space<vmem>>
      %dma_start3A_84 = arith.constant 4096 : i32
      %dma_start3A_85 = tpu.memref_slice %arg3[%scan3A_33, %dma_start3A_84] : memref<26x16384xi32, #tpu.memory_space<hbm>> -> memref<1x4096xi32, #tpu.memory_space<hbm>>
      %dma_start3A_86 = tpu.memref_squeeze %dma_start3A_85 : memref<1x4096xi32, #tpu.memory_space<hbm>> -> memref<4096xi32, #tpu.memory_space<hbm>>
      tpu.enqueue_dma source(%dma_start3A_86 : memref<4096xi32, #tpu.memory_space<hbm>>) target(%dma_start3A_83 : memref<4096xi32, #tpu.memory_space<vmem>>) target_semaphore(%arg8 : memref<!tpu.dma_semaphore, #tpu.memory_space<semaphore_mem>>)
      %gt3A = arith.constant 0 : i32
      %gt3A_87 = arith.cmpi sgt, %scan3A_33, %gt3A : i32
      %convert_element_type3A = arith.extui %gt3A_87 : i1 to i32
      %cond3A = arith.constant 0 : i32
      %cond3A_88 = arith.cmpi ne, %convert_element_type3A, %cond3A : i32
      scf.if %cond3A_88 {
        %dma_wait3A_261 = arith.constant 0 : i32
        %dma_wait3A_262 = arith.constant 0 : i32
        %dma_wait3A_263 = tpu.memref_slice %arg7[%dma_wait3A_261, %dma_wait3A_262] : memref<2x4096xf32, #tpu.memory_space<vmem>> -> memref<1x4096xf32, #tpu.memory_space<vmem>>
        %dma_wait3A_264 = tpu.memref_squeeze %dma_wait3A_263 : memref<1x4096xf32, #tpu.memory_space<vmem>> -> memref<4096xf32, #tpu.memory_space<vmem>>
        %dma_wait3A_265 = arith.constant 0 : i32
        %dma_wait3A_266 = tpu.memref_slice %arg4[%add3A_36, %dma_wait3A_265] : memref<832x16384xf32, #tpu.memory_space<hbm>> -> memref<1x4096xf32, #tpu.memory_space<hbm>>
        %dma_wait3A_267 = tpu.memref_squeeze %dma_wait3A_266 : memref<1x4096xf32, #tpu.memory_space<hbm>> -> memref<4096xf32, #tpu.memory_space<hbm>>
        %dma_wait3A_268 = arith.constant 0 : i32
        %dma_wait3A_269 = tpu.memref_slice %arg4[%add3A_36, %dma_wait3A_268] : memref<832x16384xf32, #tpu.memory_space<hbm>> -> memref<1x4096xf32, #tpu.memory_space<hbm>>
        %dma_wait3A_270 = tpu.memref_squeeze %dma_wait3A_269 : memref<1x4096xf32, #tpu.memory_space<hbm>> -> memref<4096xf32, #tpu.memory_space<hbm>>
        %dma_wait3A_271 = arith.constant 0 : i32
        %dma_wait3A_272 = tpu.memref_slice %arg7[%dma_wait3A_261, %dma_wait3A_271] : memref<2x4096xf32, #tpu.memory_space<vmem>> -> memref<1x4096xf32, #tpu.memory_space<vmem>>
        %dma_wait3A_273 = tpu.memref_squeeze %dma_wait3A_272 : memref<1x4096xf32, #tpu.memory_space<vmem>> -> memref<4096xf32, #tpu.memory_space<vmem>>
        tpu.wait_dma2 semaphore(%arg9 : memref<!tpu.dma_semaphore, #tpu.memory_space<semaphore_mem>>) src(%dma_wait3A_273 : memref<4096xf32, #tpu.memory_space<vmem>>) dst(%dma_wait3A_270 : memref<4096xf32, #tpu.memory_space<hbm>>)
      } else {
      }
      %scan3A_89 = arith.constant 0 : i32
      %scan3A_90 = arith.constant 0 : i32
      %scan3A_91 = arith.constant 16 : i32
      %scan3A_92 = arith.addi %scan3A_90, %scan3A_91 : i32
      %scan3A_93 = arith.constant 1 : i32
      scf.for %scan3A_261 = %scan3A_90 to %scan3A_92 step %scan3A_93  : i32 {
        %mul3A_262 = arith.constant 256 : i32
        %mul3A_263 = arith.muli %scan3A_261, %mul3A_262 : i32
        %add3A_264 = arith.constant 0 : i32
        %add3A_265 = arith.addi %mul3A_263, %add3A_264 : i32
        %get3A = arith.constant 0 : i32
        %get3A_266 = arith.index_cast %get3A : i32 to index
        %get3A_267 = arith.index_cast %add3A_265 : i32 to index
        %get3A_268 = tpu.vector_load %arg6[%get3A_266, %get3A_267] {strides = array<i32>} : memref<2x4096xi32, #tpu.memory_space<vmem>>, vector<16xi32>,
        %gather3A = tpu.vector_load_idx %arg5[%get3A_268] : memref<100000xf32, #tpu.memory_space<vmem>>[vector<16xi32>], vector<16xf32>,
        %swap3A = arith.constant 0 : i32
        %swap3A_269 = arith.index_cast %swap3A : i32 to index
        %swap3A_270 = arith.index_cast %add3A_265 : i32 to index
        %swap3A_271 = tpu.vector_load %arg7[%swap3A_269, %swap3A_270] {strides = array<i32>} : memref<2x4096xf32, #tpu.memory_space<vmem>>, vector<16xf32>,
        tpu.vector_store %arg7[%swap3A_269, %swap3A_270], %gather3A {strides = array<i32>} : memref<2x4096xf32, #tpu.memory_space<vmem>>, vector<16xf32>,
        %add3A_272 = arith.constant 16 : i32
        %add3A_273 = arith.addi %mul3A_263, %add3A_272 : i32
        %get3A_274 = arith.constant 0 : i32
        %get3A_275 = arith.index_cast %get3A_274 : i32 to index
        %get3A_276 = arith.index_cast %add3A_273 : i32 to index
        %get3A_277 = tpu.vector_load %arg6[%get3A_275, %get3A_276] {strides = array<i32>} : memref<2x4096xi32, #tpu.memory_space<vmem>>, vector<16xi32>,
        %gather3A_278 = tpu.vector_load_idx %arg5[%get3A_277] : memref<100000xf32, #tpu.memory_space<vmem>>[vector<16xi32>], vector<16xf32>,
        %swap3A_279 = arith.constant 0 : i32
        %swap3A_280 = arith.index_cast %swap3A_279 : i32 to index
        %swap3A_281 = arith.index_cast %add3A_273 : i32 to index
        %swap3A_282 = tpu.vector_load %arg7[%swap3A_280, %swap3A_281] {strides = array<i32>} : memref<2x4096xf32, #tpu.memory_space<vmem>>, vector<16xf32>,
        tpu.vector_store %arg7[%swap3A_280, %swap3A_281], %gather3A_278 {strides = array<i32>} : memref<2x4096xf32, #tpu.memory_space<vmem>>, vector<16xf32>,
        %add3A_283 = arith.constant 32 : i32
        %add3A_284 = arith.addi %mul3A_263, %add3A_283 : i32
        %get3A_285 = arith.constant 0 : i32
        %get3A_286 = arith.index_cast %get3A_285 : i32 to index
        %get3A_287 = arith.index_cast %add3A_284 : i32 to index
        %get3A_288 = tpu.vector_load %arg6[%get3A_286, %get3A_287] {strides = array<i32>} : memref<2x4096xi32, #tpu.memory_space<vmem>>, vector<16xi32>,
        %gather3A_289 = tpu.vector_load_idx %arg5[%get3A_288] : memref<100000xf32, #tpu.memory_space<vmem>>[vector<16xi32>], vector<16xf32>,
        %swap3A_290 = arith.constant 0 : i32
        %swap3A_291 = arith.index_cast %swap3A_290 : i32 to index
        %swap3A_292 = arith.index_cast %add3A_284 : i32 to index
        %swap3A_293 = tpu.vector_load %arg7[%swap3A_291, %swap3A_292] {strides = array<i32>} : memref<2x4096xf32, #tpu.memory_space<vmem>>, vector<16xf32>,
        tpu.vector_store %arg7[%swap3A_291, %swap3A_292], %gather3A_289 {strides = array<i32>} : memref<2x4096xf32, #tpu.memory_space<vmem>>, vector<16xf32>,
        %add3A_294 = arith.constant 48 : i32
        %add3A_295 = arith.addi %mul3A_263, %add3A_294 : i32
        %get3A_296 = arith.constant 0 : i32
        %get3A_297 = arith.index_cast %get3A_296 : i32 to index
        %get3A_298 = arith.index_cast %add3A_295 : i32 to index
        %get3A_299 = tpu.vector_load %arg6[%get3A_297, %get3A_298] {strides = array<i32>} : memref<2x4096xi32, #tpu.memory_space<vmem>>, vector<16xi32>,
        %gather3A_300 = tpu.vector_load_idx %arg5[%get3A_299] : memref<100000xf32, #tpu.memory_space<vmem>>[vector<16xi32>], vector<16xf32>,
        %swap3A_301 = arith.constant 0 : i32
        %swap3A_302 = arith.index_cast %swap3A_301 : i32 to index
        %swap3A_303 = arith.index_cast %add3A_295 : i32 to index
        %swap3A_304 = tpu.vector_load %arg7[%swap3A_302, %swap3A_303] {strides = array<i32>} : memref<2x4096xf32, #tpu.memory_space<vmem>>, vector<16xf32>,
        tpu.vector_store %arg7[%swap3A_302, %swap3A_303], %gather3A_300 {strides = array<i32>} : memref<2x4096xf32, #tpu.memory_space<vmem>>, vector<16xf32>,
        %add3A_305 = arith.constant 64 : i32
        %add3A_306 = arith.addi %mul3A_263, %add3A_305 : i32
        %get3A_307 = arith.constant 0 : i32
        %get3A_308 = arith.index_cast %get3A_307 : i32 to index
        %get3A_309 = arith.index_cast %add3A_306 : i32 to index
        %get3A_310 = tpu.vector_load %arg6[%get3A_308, %get3A_309] {strides = array<i32>} : memref<2x4096xi32, #tpu.memory_space<vmem>>, vector<16xi32>,
        %gather3A_311 = tpu.vector_load_idx %arg5[%get3A_310] : memref<100000xf32, #tpu.memory_space<vmem>>[vector<16xi32>], vector<16xf32>,
        %swap3A_312 = arith.constant 0 : i32
        %swap3A_313 = arith.index_cast %swap3A_312 : i32 to index
        %swap3A_314 = arith.index_cast %add3A_306 : i32 to index
        %swap3A_315 = tpu.vector_load %arg7[%swap3A_313, %swap3A_314] {strides = array<i32>} : memref<2x4096xf32, #tpu.memory_space<vmem>>, vector<16xf32>,
        tpu.vector_store %arg7[%swap3A_313, %swap3A_314], %gather3A_311 {strides = array<i32>} : memref<2x4096xf32, #tpu.memory_space<vmem>>, vector<16xf32>,
        %add3A_316 = arith.constant 80 : i32
        %add3A_317 = arith.addi %mul3A_263, %add3A_316 : i32
        %get3A_318 = arith.constant 0 : i32
        %get3A_319 = arith.index_cast %get3A_318 : i32 to index
        %get3A_320 = arith.index_cast %add3A_317 : i32 to index
        %get3A_321 = tpu.vector_load %arg6[%get3A_319, %get3A_320] {strides = array<i32>} : memref<2x4096xi32, #tpu.memory_space<vmem>>, vector<16xi32>,
        %gather3A_322 = tpu.vector_load_idx %arg5[%get3A_321] : memref<100000xf32, #tpu.memory_space<vmem>>[vector<16xi32>], vector<16xf32>,
        %swap3A_323 = arith.constant 0 : i32
        %swap3A_324 = arith.index_cast %swap3A_323 : i32 to index
        %swap3A_325 = arith.index_cast %add3A_317 : i32 to index
        %swap3A_326 = tpu.vector_load %arg7[%swap3A_324, %swap3A_325] {strides = array<i32>} : memref<2x4096xf32, #tpu.memory_space<vmem>>, vector<16xf32>,
        tpu.vector_store %arg7[%swap3A_324, %swap3A_325], %gather3A_322 {strides = array<i32>} : memref<2x4096xf32, #tpu.memory_space<vmem>>, vector<16xf32>,
        %add3A_327 = arith.constant 96 : i32
        %add3A_328 = arith.addi %mul3A_263, %add3A_327 : i32
        %get3A_329 = arith.constant 0 : i32
        %get3A_330 = arith.index_cast %get3A_329 : i32 to index
        %get3A_331 = arith.index_cast %add3A_328 : i32 to index
        %get3A_332 = tpu.vector_load %arg6[%get3A_330, %get3A_331] {strides = array<i32>} : memref<2x4096xi32, #tpu.memory_space<vmem>>, vector<16xi32>,
        %gather3A_333 = tpu.vector_load_idx %arg5[%get3A_332] : memref<100000xf32, #tpu.memory_space<vmem>>[vector<16xi32>], vector<16xf32>,
        %swap3A_334 = arith.constant 0 : i32
        %swap3A_335 = arith.index_cast %swap3A_334 : i32 to index
        %swap3A_336 = arith.index_cast %add3A_328 : i32 to index
        %swap3A_337 = tpu.vector_load %arg7[%swap3A_335, %swap3A_336] {strides = array<i32>} : memref<2x4096xf32, #tpu.memory_space<vmem>>, vector<16xf32>,
        tpu.vector_store %arg7[%swap3A_335, %swap3A_336], %gather3A_333 {strides = array<i32>} : memref<2x4096xf32, #tpu.memory_space<vmem>>, vector<16xf32>,
        %add3A_338 = arith.constant 112 : i32
        %add3A_339 = arith.addi %mul3A_263, %add3A_338 : i32
        %get3A_340 = arith.constant 0 : i32
        %get3A_341 = arith.index_cast %get3A_340 : i32 to index
        %get3A_342 = arith.index_cast %add3A_339 : i32 to index
        %get3A_343 = tpu.vector_load %arg6[%get3A_341, %get3A_342] {strides = array<i32>} : memref<2x4096xi32, #tpu.memory_space<vmem>>, vector<16xi32>,
        %gather3A_344 = tpu.vector_load_idx %arg5[%get3A_343] : memref<100000xf32, #tpu.memory_space<vmem>>[vector<16xi32>], vector<16xf32>,
        %swap3A_345 = arith.constant 0 : i32
        %swap3A_346 = arith.index_cast %swap3A_345 : i32 to index
        %swap3A_347 = arith.index_cast %add3A_339 : i32 to index
        %swap3A_348 = tpu.vector_load %arg7[%swap3A_346, %swap3A_347] {strides = array<i32>} : memref<2x4096xf32, #tpu.memory_space<vmem>>, vector<16xf32>,
        tpu.vector_store %arg7[%swap3A_346, %swap3A_347], %gather3A_344 {strides = array<i32>} : memref<2x4096xf32, #tpu.memory_space<vmem>>, vector<16xf32>,
        %add3A_349 = arith.constant 128 : i32
        %add3A_350 = arith.addi %mul3A_263, %add3A_349 : i32
        %get3A_351 = arith.constant 0 : i32
        %get3A_352 = arith.index_cast %get3A_351 : i32 to index
        %get3A_353 = arith.index_cast %add3A_350 : i32 to index
        %get3A_354 = tpu.vector_load %arg6[%get3A_352, %get3A_353] {strides = array<i32>} : memref<2x4096xi32, #tpu.memory_space<vmem>>, vector<16xi32>,
        %gather3A_355 = tpu.vector_load_idx %arg5[%get3A_354] : memref<100000xf32, #tpu.memory_space<vmem>>[vector<16xi32>], vector<16xf32>,
        %swap3A_356 = arith.constant 0 : i32
        %swap3A_357 = arith.index_cast %swap3A_356 : i32 to index
        %swap3A_358 = arith.index_cast %add3A_350 : i32 to index
        %swap3A_359 = tpu.vector_load %arg7[%swap3A_357, %swap3A_358] {strides = array<i32>} : memref<2x4096xf32, #tpu.memory_space<vmem>>, vector<16xf32>,
        tpu.vector_store %arg7[%swap3A_357, %swap3A_358], %gather3A_355 {strides = array<i32>} : memref<2x4096xf32, #tpu.memory_space<vmem>>, vector<16xf32>,
        %add3A_360 = arith.constant 144 : i32
        %add3A_361 = arith.addi %mul3A_263, %add3A_360 : i32
        %get3A_362 = arith.constant 0 : i32
        %get3A_363 = arith.index_cast %get3A_362 : i32 to index
        %get3A_364 = arith.index_cast %add3A_361 : i32 to index
        %get3A_365 = tpu.vector_load %arg6[%get3A_363, %get3A_364] {strides = array<i32>} : memref<2x4096xi32, #tpu.memory_space<vmem>>, vector<16xi32>,
        %gather3A_366 = tpu.vector_load_idx %arg5[%get3A_365] : memref<100000xf32, #tpu.memory_space<vmem>>[vector<16xi32>], vector<16xf32>,
        %swap3A_367 = arith.constant 0 : i32
        %swap3A_368 = arith.index_cast %swap3A_367 : i32 to index
        %swap3A_369 = arith.index_cast %add3A_361 : i32 to index
        %swap3A_370 = tpu.vector_load %arg7[%swap3A_368, %swap3A_369] {strides = array<i32>} : memref<2x4096xf32, #tpu.memory_space<vmem>>, vector<16xf32>,
        tpu.vector_store %arg7[%swap3A_368, %swap3A_369], %gather3A_366 {strides = array<i32>} : memref<2x4096xf32, #tpu.memory_space<vmem>>, vector<16xf32>,
        %add3A_371 = arith.constant 160 : i32
        %add3A_372 = arith.addi %mul3A_263, %add3A_371 : i32
        %get3A_373 = arith.constant 0 : i32
        %get3A_374 = arith.index_cast %get3A_373 : i32 to index
        %get3A_375 = arith.index_cast %add3A_372 : i32 to index
        %get3A_376 = tpu.vector_load %arg6[%get3A_374, %get3A_375] {strides = array<i32>} : memref<2x4096xi32, #tpu.memory_space<vmem>>, vector<16xi32>,
        %gather3A_377 = tpu.vector_load_idx %arg5[%get3A_376] : memref<100000xf32, #tpu.memory_space<vmem>>[vector<16xi32>], vector<16xf32>,
        %swap3A_378 = arith.constant 0 : i32
        %swap3A_379 = arith.index_cast %swap3A_378 : i32 to index
        %swap3A_380 = arith.index_cast %add3A_372 : i32 to index
        %swap3A_381 = tpu.vector_load %arg7[%swap3A_379, %swap3A_380] {strides = array<i32>} : memref<2x4096xf32, #tpu.memory_space<vmem>>, vector<16xf32>,
        tpu.vector_store %arg7[%swap3A_379, %swap3A_380], %gather3A_377 {strides = array<i32>} : memref<2x4096xf32, #tpu.memory_space<vmem>>, vector<16xf32>,
        %add3A_382 = arith.constant 176 : i32
        %add3A_383 = arith.addi %mul3A_263, %add3A_382 : i32
        %get3A_384 = arith.constant 0 : i32
        %get3A_385 = arith.index_cast %get3A_384 : i32 to index
        %get3A_386 = arith.index_cast %add3A_383 : i32 to index
        %get3A_387 = tpu.vector_load %arg6[%get3A_385, %get3A_386] {strides = array<i32>} : memref<2x4096xi32, #tpu.memory_space<vmem>>, vector<16xi32>,
        %gather3A_388 = tpu.vector_load_idx %arg5[%get3A_387] : memref<100000xf32, #tpu.memory_space<vmem>>[vector<16xi32>], vector<16xf32>,
        %swap3A_389 = arith.constant 0 : i32
        %swap3A_390 = arith.index_cast %swap3A_389 : i32 to index
        %swap3A_391 = arith.index_cast %add3A_383 : i32 to index
        %swap3A_392 = tpu.vector_load %arg7[%swap3A_390, %swap3A_391] {strides = array<i32>} : memref<2x4096xf32, #tpu.memory_space<vmem>>, vector<16xf32>,
        tpu.vector_store %arg7[%swap3A_390, %swap3A_391], %gather3A_388 {strides = array<i32>} : memref<2x4096xf32, #tpu.memory_space<vmem>>, vector<16xf32>,
        %add3A_393 = arith.constant 192 : i32
        %add3A_394 = arith.addi %mul3A_263, %add3A_393 : i32
        %get3A_395 = arith.constant 0 : i32
        %get3A_396 = arith.index_cast %get3A_395 : i32 to index
        %get3A_397 = arith.index_cast %add3A_394 : i32 to index
        %get3A_398 = tpu.vector_load %arg6[%get3A_396, %get3A_397] {strides = array<i32>} : memref<2x4096xi32, #tpu.memory_space<vmem>>, vector<16xi32>,
        %gather3A_399 = tpu.vector_load_idx %arg5[%get3A_398] : memref<100000xf32, #tpu.memory_space<vmem>>[vector<16xi32>], vector<16xf32>,
        %swap3A_400 = arith.constant 0 : i32
        %swap3A_401 = arith.index_cast %swap3A_400 : i32 to index
        %swap3A_402 = arith.index_cast %add3A_394 : i32 to index
        %swap3A_403 = tpu.vector_load %arg7[%swap3A_401, %swap3A_402] {strides = array<i32>} : memref<2x4096xf32, #tpu.memory_space<vmem>>, vector<16xf32>,
        tpu.vector_store %arg7[%swap3A_401, %swap3A_402], %gather3A_399 {strides = array<i32>} : memref<2x4096xf32, #tpu.memory_space<vmem>>, vector<16xf32>,
        %add3A_404 = arith.constant 208 : i32
        %add3A_405 = arith.addi %mul3A_263, %add3A_404 : i32
        %get3A_406 = arith.constant 0 : i32
        %get3A_407 = arith.index_cast %get3A_406 : i32 to index
        %get3A_408 = arith.index_cast %add3A_405 : i32 to index
        %get3A_409 = tpu.vector_load %arg6[%get3A_407, %get3A_408] {strides = array<i32>} : memref<2x4096xi32, #tpu.memory_space<vmem>>, vector<16xi32>,
        %gather3A_410 = tpu.vector_load_idx %arg5[%get3A_409] : memref<100000xf32, #tpu.memory_space<vmem>>[vector<16xi32>], vector<16xf32>,
        %swap3A_411 = arith.constant 0 : i32
        %swap3A_412 = arith.index_cast %swap3A_411 : i32 to index
        %swap3A_413 = arith.index_cast %add3A_405 : i32 to index
        %swap3A_414 = tpu.vector_load %arg7[%swap3A_412, %swap3A_413] {strides = array<i32>} : memref<2x4096xf32, #tpu.memory_space<vmem>>, vector<16xf32>,
        tpu.vector_store %arg7[%swap3A_412, %swap3A_413], %gather3A_410 {strides = array<i32>} : memref<2x4096xf32, #tpu.memory_space<vmem>>, vector<16xf32>,
        %add3A_415 = arith.constant 224 : i32
        %add3A_416 = arith.addi %mul3A_263, %add3A_415 : i32
        %get3A_417 = arith.constant 0 : i32
        %get3A_418 = arith.index_cast %get3A_417 : i32 to index
        %get3A_419 = arith.index_cast %add3A_416 : i32 to index
        %get3A_420 = tpu.vector_load %arg6[%get3A_418, %get3A_419] {strides = array<i32>} : memref<2x4096xi32, #tpu.memory_space<vmem>>, vector<16xi32>,
        %gather3A_421 = tpu.vector_load_idx %arg5[%get3A_420] : memref<100000xf32, #tpu.memory_space<vmem>>[vector<16xi32>], vector<16xf32>,
        %swap3A_422 = arith.constant 0 : i32
        %swap3A_423 = arith.index_cast %swap3A_422 : i32 to index
        %swap3A_424 = arith.index_cast %add3A_416 : i32 to index
        %swap3A_425 = tpu.vector_load %arg7[%swap3A_423, %swap3A_424] {strides = array<i32>} : memref<2x4096xf32, #tpu.memory_space<vmem>>, vector<16xf32>,
        tpu.vector_store %arg7[%swap3A_423, %swap3A_424], %gather3A_421 {strides = array<i32>} : memref<2x4096xf32, #tpu.memory_space<vmem>>, vector<16xf32>,
        %add3A_426 = arith.constant 240 : i32
        %add3A_427 = arith.addi %mul3A_263, %add3A_426 : i32
        %get3A_428 = arith.constant 0 : i32
        %get3A_429 = arith.index_cast %get3A_428 : i32 to index
        %get3A_430 = arith.index_cast %add3A_427 : i32 to index
        %get3A_431 = tpu.vector_load %arg6[%get3A_429, %get3A_430] {strides = array<i32>} : memref<2x4096xi32, #tpu.memory_space<vmem>>, vector<16xi32>,
        %gather3A_432 = tpu.vector_load_idx %arg5[%get3A_431] : memref<100000xf32, #tpu.memory_space<vmem>>[vector<16xi32>], vector<16xf32>,
        %swap3A_433 = arith.constant 0 : i32
        %swap3A_434 = arith.index_cast %swap3A_433 : i32 to index
        %swap3A_435 = arith.index_cast %add3A_427 : i32 to index
        %swap3A_436 = tpu.vector_load %arg7[%swap3A_434, %swap3A_435] {strides = array<i32>} : memref<2x4096xf32, #tpu.memory_space<vmem>>, vector<16xf32>,
        tpu.vector_store %arg7[%swap3A_434, %swap3A_435], %gather3A_432 {strides = array<i32>} : memref<2x4096xf32, #tpu.memory_space<vmem>>, vector<16xf32>,
      }
      %scan3A_94 = arith.constant 16 : i32
      %dma_start3A_95 = arith.constant 0 : i32
      %dma_start3A_96 = arith.constant 0 : i32
      %dma_start3A_97 = tpu.memref_slice %arg7[%dma_start3A_95, %dma_start3A_96] : memref<2x4096xf32, #tpu.memory_space<vmem>> -> memref<1x4096xf32, #tpu.memory_space<vmem>>
      %dma_start3A_98 = tpu.memref_squeeze %dma_start3A_97 : memref<1x4096xf32, #tpu.memory_space<vmem>> -> memref<4096xf32, #tpu.memory_space<vmem>>
      %dma_start3A_99 = arith.constant 0 : i32
      %dma_start3A_100 = tpu.memref_slice %arg4[%add3A_36, %dma_start3A_99] : memref<832x16384xf32, #tpu.memory_space<hbm>> -> memref<1x4096xf32, #tpu.memory_space<hbm>>
      %dma_start3A_101 = tpu.memref_squeeze %dma_start3A_100 : memref<1x4096xf32, #tpu.memory_space<hbm>> -> memref<4096xf32, #tpu.memory_space<hbm>>
      %dma_start3A_102 = arith.constant 0 : i32
      %dma_start3A_103 = tpu.memref_slice %arg4[%add3A_36, %dma_start3A_102] : memref<832x16384xf32, #tpu.memory_space<hbm>> -> memref<1x4096xf32, #tpu.memory_space<hbm>>
      %dma_start3A_104 = tpu.memref_squeeze %dma_start3A_103 : memref<1x4096xf32, #tpu.memory_space<hbm>> -> memref<4096xf32, #tpu.memory_space<hbm>>
      %dma_start3A_105 = arith.constant 0 : i32
      %dma_start3A_106 = tpu.memref_slice %arg7[%dma_start3A_95, %dma_start3A_105] : memref<2x4096xf32, #tpu.memory_space<vmem>> -> memref<1x4096xf32, #tpu.memory_space<vmem>>
      %dma_start3A_107 = tpu.memref_squeeze %dma_start3A_106 : memref<1x4096xf32, #tpu.memory_space<vmem>> -> memref<4096xf32, #tpu.memory_space<vmem>>
      tpu.enqueue_dma source(%dma_start3A_107 : memref<4096xf32, #tpu.memory_space<vmem>>) target(%dma_start3A_104 : memref<4096xf32, #tpu.memory_space<hbm>>) target_semaphore(%arg9 : memref<!tpu.dma_semaphore, #tpu.memory_space<semaphore_mem>>)
      %dma_wait3A_108 = arith.constant 1 : i32
      %dma_wait3A_109 = arith.constant 0 : i32
      %dma_wait3A_110 = tpu.memref_slice %arg6[%dma_wait3A_108, %dma_wait3A_109] : memref<2x4096xi32, #tpu.memory_space<vmem>> -> memref<1x4096xi32, #tpu.memory_space<vmem>>
      %dma_wait3A_111 = tpu.memref_squeeze %dma_wait3A_110 : memref<1x4096xi32, #tpu.memory_space<vmem>> -> memref<4096xi32, #tpu.memory_space<vmem>>
      %dma_wait3A_112 = arith.constant 4096 : i32
      %dma_wait3A_113 = tpu.memref_slice %arg3[%scan3A_33, %dma_wait3A_112] : memref<26x16384xi32, #tpu.memory_space<hbm>> -> memref<1x4096xi32, #tpu.memory_space<hbm>>
      %dma_wait3A_114 = tpu.memref_squeeze %dma_wait3A_113 : memref<1x4096xi32, #tpu.memory_space<hbm>> -> memref<4096xi32, #tpu.memory_space<hbm>>
      %dma_wait3A_115 = arith.constant 0 : i32
      %dma_wait3A_116 = tpu.memref_slice %arg6[%dma_wait3A_108, %dma_wait3A_115] : memref<2x4096xi32, #tpu.memory_space<vmem>> -> memref<1x4096xi32, #tpu.memory_space<vmem>>
      %dma_wait3A_117 = tpu.memref_squeeze %dma_wait3A_116 : memref<1x4096xi32, #tpu.memory_space<vmem>> -> memref<4096xi32, #tpu.memory_space<vmem>>
      %dma_wait3A_118 = arith.constant 4096 : i32
      %dma_wait3A_119 = tpu.memref_slice %arg3[%scan3A_33, %dma_wait3A_118] : memref<26x16384xi32, #tpu.memory_space<hbm>> -> memref<1x4096xi32, #tpu.memory_space<hbm>>
      %dma_wait3A_120 = tpu.memref_squeeze %dma_wait3A_119 : memref<1x4096xi32, #tpu.memory_space<hbm>> -> memref<4096xi32, #tpu.memory_space<hbm>>
      tpu.wait_dma2 semaphore(%arg8 : memref<!tpu.dma_semaphore, #tpu.memory_space<semaphore_mem>>) src(%dma_wait3A_120 : memref<4096xi32, #tpu.memory_space<hbm>>) dst(%dma_wait3A_117 : memref<4096xi32, #tpu.memory_space<vmem>>)
      %dma_start3A_121 = arith.constant 0 : i32
      %dma_start3A_122 = arith.constant 0 : i32
      %dma_start3A_123 = tpu.memref_slice %arg6[%dma_start3A_121, %dma_start3A_122] : memref<2x4096xi32, #tpu.memory_space<vmem>> -> memref<1x4096xi32, #tpu.memory_space<vmem>>
      %dma_start3A_124 = tpu.memref_squeeze %dma_start3A_123 : memref<1x4096xi32, #tpu.memory_space<vmem>> -> memref<4096xi32, #tpu.memory_space<vmem>>
      %dma_start3A_125 = arith.constant 8192 : i32
      %dma_start3A_126 = tpu.memref_slice %arg3[%scan3A_33, %dma_start3A_125] : memref<26x16384xi32, #tpu.memory_space<hbm>> -> memref<1x4096xi32, #tpu.memory_space<hbm>>
      %dma_start3A_127 = tpu.memref_squeeze %dma_start3A_126 : memref<1x4096xi32, #tpu.memory_space<hbm>> -> memref<4096xi32, #tpu.memory_space<hbm>>
      %dma_start3A_128 = arith.constant 0 : i32
      %dma_start3A_129 = tpu.memref_slice %arg6[%dma_start3A_121, %dma_start3A_128] : memref<2x4096xi32, #tpu.memory_space<vmem>> -> memref<1x4096xi32, #tpu.memory_space<vmem>>
      %dma_start3A_130 = tpu.memref_squeeze %dma_start3A_129 : memref<1x4096xi32, #tpu.memory_space<vmem>> -> memref<4096xi32, #tpu.memory_space<vmem>>
      %dma_start3A_131 = arith.constant 8192 : i32
      %dma_start3A_132 = tpu.memref_slice %arg3[%scan3A_33, %dma_start3A_131] : memref<26x16384xi32, #tpu.memory_space<hbm>> -> memref<1x4096xi32, #tpu.memory_space<hbm>>
      %dma_start3A_133 = tpu.memref_squeeze %dma_start3A_132 : memref<1x4096xi32, #tpu.memory_space<hbm>> -> memref<4096xi32, #tpu.memory_space<hbm>>
      tpu.enqueue_dma source(%dma_start3A_133 : memref<4096xi32, #tpu.memory_space<hbm>>) target(%dma_start3A_130 : memref<4096xi32, #tpu.memory_space<vmem>>) target_semaphore(%arg8 : memref<!tpu.dma_semaphore, #tpu.memory_space<semaphore_mem>>)
      %gt3A_134 = arith.constant 0 : i32
      %gt3A_135 = arith.cmpi sgt, %scan3A_33, %gt3A_134 : i32
      %convert_element_type3A_136 = arith.extui %gt3A_135 : i1 to i32
      %cond3A_137 = arith.constant 0 : i32
      %cond3A_138 = arith.cmpi ne, %convert_element_type3A_136, %cond3A_137 : i32
      scf.if %cond3A_138 {
        %dma_wait3A_261 = arith.constant 1 : i32
        %dma_wait3A_262 = arith.constant 0 : i32
        %dma_wait3A_263 = tpu.memref_slice %arg7[%dma_wait3A_261, %dma_wait3A_262] : memref<2x4096xf32, #tpu.memory_space<vmem>> -> memref<1x4096xf32, #tpu.memory_space<vmem>>
        %dma_wait3A_264 = tpu.memref_squeeze %dma_wait3A_263 : memref<1x4096xf32, #tpu.memory_space<vmem>> -> memref<4096xf32, #tpu.memory_space<vmem>>
        %dma_wait3A_265 = arith.constant 0 : i32
        %dma_wait3A_266 = tpu.memref_slice %arg4[%add3A_36, %dma_wait3A_265] : memref<832x16384xf32, #tpu.memory_space<hbm>> -> memref<1x4096xf32, #tpu.memory_space<hbm>>
        %dma_wait3A_267 = tpu.memref_squeeze %dma_wait3A_266 : memref<1x4096xf32, #tpu.memory_space<hbm>> -> memref<4096xf32, #tpu.memory_space<hbm>>
        %dma_wait3A_268 = arith.constant 0 : i32
        %dma_wait3A_269 = tpu.memref_slice %arg4[%add3A_36, %dma_wait3A_268] : memref<832x16384xf32, #tpu.memory_space<hbm>> -> memref<1x4096xf32, #tpu.memory_space<hbm>>
        %dma_wait3A_270 = tpu.memref_squeeze %dma_wait3A_269 : memref<1x4096xf32, #tpu.memory_space<hbm>> -> memref<4096xf32, #tpu.memory_space<hbm>>
        %dma_wait3A_271 = arith.constant 0 : i32
        %dma_wait3A_272 = tpu.memref_slice %arg7[%dma_wait3A_261, %dma_wait3A_271] : memref<2x4096xf32, #tpu.memory_space<vmem>> -> memref<1x4096xf32, #tpu.memory_space<vmem>>
        %dma_wait3A_273 = tpu.memref_squeeze %dma_wait3A_272 : memref<1x4096xf32, #tpu.memory_space<vmem>> -> memref<4096xf32, #tpu.memory_space<vmem>>
        tpu.wait_dma2 semaphore(%arg9 : memref<!tpu.dma_semaphore, #tpu.memory_space<semaphore_mem>>) src(%dma_wait3A_273 : memref<4096xf32, #tpu.memory_space<vmem>>) dst(%dma_wait3A_270 : memref<4096xf32, #tpu.memory_space<hbm>>)
      } else {
      }
      %scan3A_139 = arith.constant 0 : i32
      %scan3A_140 = arith.constant 0 : i32
      %scan3A_141 = arith.constant 16 : i32
      %scan3A_142 = arith.addi %scan3A_140, %scan3A_141 : i32
      %scan3A_143 = arith.constant 1 : i32
      scf.for %scan3A_261 = %scan3A_140 to %scan3A_142 step %scan3A_143  : i32 {
        %mul3A_262 = arith.constant 256 : i32
        %mul3A_263 = arith.muli %scan3A_261, %mul3A_262 : i32
        %add3A_264 = arith.constant 0 : i32
        %add3A_265 = arith.addi %mul3A_263, %add3A_264 : i32
        %get3A = arith.constant 1 : i32
        %get3A_266 = arith.index_cast %get3A : i32 to index
        %get3A_267 = arith.index_cast %add3A_265 : i32 to index
        %get3A_268 = tpu.vector_load %arg6[%get3A_266, %get3A_267] {strides = array<i32>} : memref<2x4096xi32, #tpu.memory_space<vmem>>, vector<16xi32>,
        %gather3A = tpu.vector_load_idx %arg5[%get3A_268] : memref<100000xf32, #tpu.memory_space<vmem>>[vector<16xi32>], vector<16xf32>,
        %swap3A = arith.constant 1 : i32
        %swap3A_269 = arith.index_cast %swap3A : i32 to index
        %swap3A_270 = arith.index_cast %add3A_265 : i32 to index
        %swap3A_271 = tpu.vector_load %arg7[%swap3A_269, %swap3A_270] {strides = array<i32>} : memref<2x4096xf32, #tpu.memory_space<vmem>>, vector<16xf32>,
        tpu.vector_store %arg7[%swap3A_269, %swap3A_270], %gather3A {strides = array<i32>} : memref<2x4096xf32, #tpu.memory_space<vmem>>, vector<16xf32>,
        %add3A_272 = arith.constant 16 : i32
        %add3A_273 = arith.addi %mul3A_263, %add3A_272 : i32
        %get3A_274 = arith.constant 1 : i32
        %get3A_275 = arith.index_cast %get3A_274 : i32 to index
        %get3A_276 = arith.index_cast %add3A_273 : i32 to index
        %get3A_277 = tpu.vector_load %arg6[%get3A_275, %get3A_276] {strides = array<i32>} : memref<2x4096xi32, #tpu.memory_space<vmem>>, vector<16xi32>,
        %gather3A_278 = tpu.vector_load_idx %arg5[%get3A_277] : memref<100000xf32, #tpu.memory_space<vmem>>[vector<16xi32>], vector<16xf32>,
        %swap3A_279 = arith.constant 1 : i32
        %swap3A_280 = arith.index_cast %swap3A_279 : i32 to index
        %swap3A_281 = arith.index_cast %add3A_273 : i32 to index
        %swap3A_282 = tpu.vector_load %arg7[%swap3A_280, %swap3A_281] {strides = array<i32>} : memref<2x4096xf32, #tpu.memory_space<vmem>>, vector<16xf32>,
        tpu.vector_store %arg7[%swap3A_280, %swap3A_281], %gather3A_278 {strides = array<i32>} : memref<2x4096xf32, #tpu.memory_space<vmem>>, vector<16xf32>,
        %add3A_283 = arith.constant 32 : i32
        %add3A_284 = arith.addi %mul3A_263, %add3A_283 : i32
        %get3A_285 = arith.constant 1 : i32
        %get3A_286 = arith.index_cast %get3A_285 : i32 to index
        %get3A_287 = arith.index_cast %add3A_284 : i32 to index
        %get3A_288 = tpu.vector_load %arg6[%get3A_286, %get3A_287] {strides = array<i32>} : memref<2x4096xi32, #tpu.memory_space<vmem>>, vector<16xi32>,
        %gather3A_289 = tpu.vector_load_idx %arg5[%get3A_288] : memref<100000xf32, #tpu.memory_space<vmem>>[vector<16xi32>], vector<16xf32>,
        %swap3A_290 = arith.constant 1 : i32
        %swap3A_291 = arith.index_cast %swap3A_290 : i32 to index
        %swap3A_292 = arith.index_cast %add3A_284 : i32 to index
        %swap3A_293 = tpu.vector_load %arg7[%swap3A_291, %swap3A_292] {strides = array<i32>} : memref<2x4096xf32, #tpu.memory_space<vmem>>, vector<16xf32>,
        tpu.vector_store %arg7[%swap3A_291, %swap3A_292], %gather3A_289 {strides = array<i32>} : memref<2x4096xf32, #tpu.memory_space<vmem>>, vector<16xf32>,
        %add3A_294 = arith.constant 48 : i32
        %add3A_295 = arith.addi %mul3A_263, %add3A_294 : i32
        %get3A_296 = arith.constant 1 : i32
        %get3A_297 = arith.index_cast %get3A_296 : i32 to index
        %get3A_298 = arith.index_cast %add3A_295 : i32 to index
        %get3A_299 = tpu.vector_load %arg6[%get3A_297, %get3A_298] {strides = array<i32>} : memref<2x4096xi32, #tpu.memory_space<vmem>>, vector<16xi32>,
        %gather3A_300 = tpu.vector_load_idx %arg5[%get3A_299] : memref<100000xf32, #tpu.memory_space<vmem>>[vector<16xi32>], vector<16xf32>,
        %swap3A_301 = arith.constant 1 : i32
        %swap3A_302 = arith.index_cast %swap3A_301 : i32 to index
        %swap3A_303 = arith.index_cast %add3A_295 : i32 to index
        %swap3A_304 = tpu.vector_load %arg7[%swap3A_302, %swap3A_303] {strides = array<i32>} : memref<2x4096xf32, #tpu.memory_space<vmem>>, vector<16xf32>,
        tpu.vector_store %arg7[%swap3A_302, %swap3A_303], %gather3A_300 {strides = array<i32>} : memref<2x4096xf32, #tpu.memory_space<vmem>>, vector<16xf32>,
        %add3A_305 = arith.constant 64 : i32
        %add3A_306 = arith.addi %mul3A_263, %add3A_305 : i32
        %get3A_307 = arith.constant 1 : i32
        %get3A_308 = arith.index_cast %get3A_307 : i32 to index
        %get3A_309 = arith.index_cast %add3A_306 : i32 to index
        %get3A_310 = tpu.vector_load %arg6[%get3A_308, %get3A_309] {strides = array<i32>} : memref<2x4096xi32, #tpu.memory_space<vmem>>, vector<16xi32>,
        %gather3A_311 = tpu.vector_load_idx %arg5[%get3A_310] : memref<100000xf32, #tpu.memory_space<vmem>>[vector<16xi32>], vector<16xf32>,
        %swap3A_312 = arith.constant 1 : i32
        %swap3A_313 = arith.index_cast %swap3A_312 : i32 to index
        %swap3A_314 = arith.index_cast %add3A_306 : i32 to index
        %swap3A_315 = tpu.vector_load %arg7[%swap3A_313, %swap3A_314] {strides = array<i32>} : memref<2x4096xf32, #tpu.memory_space<vmem>>, vector<16xf32>,
        tpu.vector_store %arg7[%swap3A_313, %swap3A_314], %gather3A_311 {strides = array<i32>} : memref<2x4096xf32, #tpu.memory_space<vmem>>, vector<16xf32>,
        %add3A_316 = arith.constant 80 : i32
        %add3A_317 = arith.addi %mul3A_263, %add3A_316 : i32
        %get3A_318 = arith.constant 1 : i32
        %get3A_319 = arith.index_cast %get3A_318 : i32 to index
        %get3A_320 = arith.index_cast %add3A_317 : i32 to index
        %get3A_321 = tpu.vector_load %arg6[%get3A_319, %get3A_320] {strides = array<i32>} : memref<2x4096xi32, #tpu.memory_space<vmem>>, vector<16xi32>,
        %gather3A_322 = tpu.vector_load_idx %arg5[%get3A_321] : memref<100000xf32, #tpu.memory_space<vmem>>[vector<16xi32>], vector<16xf32>,
        %swap3A_323 = arith.constant 1 : i32
        %swap3A_324 = arith.index_cast %swap3A_323 : i32 to index
        %swap3A_325 = arith.index_cast %add3A_317 : i32 to index
        %swap3A_326 = tpu.vector_load %arg7[%swap3A_324, %swap3A_325] {strides = array<i32>} : memref<2x4096xf32, #tpu.memory_space<vmem>>, vector<16xf32>,
        tpu.vector_store %arg7[%swap3A_324, %swap3A_325], %gather3A_322 {strides = array<i32>} : memref<2x4096xf32, #tpu.memory_space<vmem>>, vector<16xf32>,
        %add3A_327 = arith.constant 96 : i32
        %add3A_328 = arith.addi %mul3A_263, %add3A_327 : i32
        %get3A_329 = arith.constant 1 : i32
        %get3A_330 = arith.index_cast %get3A_329 : i32 to index
        %get3A_331 = arith.index_cast %add3A_328 : i32 to index
        %get3A_332 = tpu.vector_load %arg6[%get3A_330, %get3A_331] {strides = array<i32>} : memref<2x4096xi32, #tpu.memory_space<vmem>>, vector<16xi32>,
        %gather3A_333 = tpu.vector_load_idx %arg5[%get3A_332] : memref<100000xf32, #tpu.memory_space<vmem>>[vector<16xi32>], vector<16xf32>,
        %swap3A_334 = arith.constant 1 : i32
        %swap3A_335 = arith.index_cast %swap3A_334 : i32 to index
        %swap3A_336 = arith.index_cast %add3A_328 : i32 to index
        %swap3A_337 = tpu.vector_load %arg7[%swap3A_335, %swap3A_336] {strides = array<i32>} : memref<2x4096xf32, #tpu.memory_space<vmem>>, vector<16xf32>,
        tpu.vector_store %arg7[%swap3A_335, %swap3A_336], %gather3A_333 {strides = array<i32>} : memref<2x4096xf32, #tpu.memory_space<vmem>>, vector<16xf32>,
        %add3A_338 = arith.constant 112 : i32
        %add3A_339 = arith.addi %mul3A_263, %add3A_338 : i32
        %get3A_340 = arith.constant 1 : i32
        %get3A_341 = arith.index_cast %get3A_340 : i32 to index
        %get3A_342 = arith.index_cast %add3A_339 : i32 to index
        %get3A_343 = tpu.vector_load %arg6[%get3A_341, %get3A_342] {strides = array<i32>} : memref<2x4096xi32, #tpu.memory_space<vmem>>, vector<16xi32>,
        %gather3A_344 = tpu.vector_load_idx %arg5[%get3A_343] : memref<100000xf32, #tpu.memory_space<vmem>>[vector<16xi32>], vector<16xf32>,
        %swap3A_345 = arith.constant 1 : i32
        %swap3A_346 = arith.index_cast %swap3A_345 : i32 to index
        %swap3A_347 = arith.index_cast %add3A_339 : i32 to index
        %swap3A_348 = tpu.vector_load %arg7[%swap3A_346, %swap3A_347] {strides = array<i32>} : memref<2x4096xf32, #tpu.memory_space<vmem>>, vector<16xf32>,
        tpu.vector_store %arg7[%swap3A_346, %swap3A_347], %gather3A_344 {strides = array<i32>} : memref<2x4096xf32, #tpu.memory_space<vmem>>, vector<16xf32>,
        %add3A_349 = arith.constant 128 : i32
        %add3A_350 = arith.addi %mul3A_263, %add3A_349 : i32
        %get3A_351 = arith.constant 1 : i32
        %get3A_352 = arith.index_cast %get3A_351 : i32 to index
        %get3A_353 = arith.index_cast %add3A_350 : i32 to index
        %get3A_354 = tpu.vector_load %arg6[%get3A_352, %get3A_353] {strides = array<i32>} : memref<2x4096xi32, #tpu.memory_space<vmem>>, vector<16xi32>,
        %gather3A_355 = tpu.vector_load_idx %arg5[%get3A_354] : memref<100000xf32, #tpu.memory_space<vmem>>[vector<16xi32>], vector<16xf32>,
        %swap3A_356 = arith.constant 1 : i32
        %swap3A_357 = arith.index_cast %swap3A_356 : i32 to index
        %swap3A_358 = arith.index_cast %add3A_350 : i32 to index
        %swap3A_359 = tpu.vector_load %arg7[%swap3A_357, %swap3A_358] {strides = array<i32>} : memref<2x4096xf32, #tpu.memory_space<vmem>>, vector<16xf32>,
        tpu.vector_store %arg7[%swap3A_357, %swap3A_358], %gather3A_355 {strides = array<i32>} : memref<2x4096xf32, #tpu.memory_space<vmem>>, vector<16xf32>,
        %add3A_360 = arith.constant 144 : i32
        %add3A_361 = arith.addi %mul3A_263, %add3A_360 : i32
        %get3A_362 = arith.constant 1 : i32
        %get3A_363 = arith.index_cast %get3A_362 : i32 to index
        %get3A_364 = arith.index_cast %add3A_361 : i32 to index
        %get3A_365 = tpu.vector_load %arg6[%get3A_363, %get3A_364] {strides = array<i32>} : memref<2x4096xi32, #tpu.memory_space<vmem>>, vector<16xi32>,
        %gather3A_366 = tpu.vector_load_idx %arg5[%get3A_365] : memref<100000xf32, #tpu.memory_space<vmem>>[vector<16xi32>], vector<16xf32>,
        %swap3A_367 = arith.constant 1 : i32
        %swap3A_368 = arith.index_cast %swap3A_367 : i32 to index
        %swap3A_369 = arith.index_cast %add3A_361 : i32 to index
        %swap3A_370 = tpu.vector_load %arg7[%swap3A_368, %swap3A_369] {strides = array<i32>} : memref<2x4096xf32, #tpu.memory_space<vmem>>, vector<16xf32>,
        tpu.vector_store %arg7[%swap3A_368, %swap3A_369], %gather3A_366 {strides = array<i32>} : memref<2x4096xf32, #tpu.memory_space<vmem>>, vector<16xf32>,
        %add3A_371 = arith.constant 160 : i32
        %add3A_372 = arith.addi %mul3A_263, %add3A_371 : i32
        %get3A_373 = arith.constant 1 : i32
        %get3A_374 = arith.index_cast %get3A_373 : i32 to index
        %get3A_375 = arith.index_cast %add3A_372 : i32 to index
        %get3A_376 = tpu.vector_load %arg6[%get3A_374, %get3A_375] {strides = array<i32>} : memref<2x4096xi32, #tpu.memory_space<vmem>>, vector<16xi32>,
        %gather3A_377 = tpu.vector_load_idx %arg5[%get3A_376] : memref<100000xf32, #tpu.memory_space<vmem>>[vector<16xi32>], vector<16xf32>,
        %swap3A_378 = arith.constant 1 : i32
        %swap3A_379 = arith.index_cast %swap3A_378 : i32 to index
        %swap3A_380 = arith.index_cast %add3A_372 : i32 to index
        %swap3A_381 = tpu.vector_load %arg7[%swap3A_379, %swap3A_380] {strides = array<i32>} : memref<2x4096xf32, #tpu.memory_space<vmem>>, vector<16xf32>,
        tpu.vector_store %arg7[%swap3A_379, %swap3A_380], %gather3A_377 {strides = array<i32>} : memref<2x4096xf32, #tpu.memory_space<vmem>>, vector<16xf32>,
        %add3A_382 = arith.constant 176 : i32
        %add3A_383 = arith.addi %mul3A_263, %add3A_382 : i32
        %get3A_384 = arith.constant 1 : i32
        %get3A_385 = arith.index_cast %get3A_384 : i32 to index
        %get3A_386 = arith.index_cast %add3A_383 : i32 to index
        %get3A_387 = tpu.vector_load %arg6[%get3A_385, %get3A_386] {strides = array<i32>} : memref<2x4096xi32, #tpu.memory_space<vmem>>, vector<16xi32>,
        %gather3A_388 = tpu.vector_load_idx %arg5[%get3A_387] : memref<100000xf32, #tpu.memory_space<vmem>>[vector<16xi32>], vector<16xf32>,
        %swap3A_389 = arith.constant 1 : i32
        %swap3A_390 = arith.index_cast %swap3A_389 : i32 to index
        %swap3A_391 = arith.index_cast %add3A_383 : i32 to index
        %swap3A_392 = tpu.vector_load %arg7[%swap3A_390, %swap3A_391] {strides = array<i32>} : memref<2x4096xf32, #tpu.memory_space<vmem>>, vector<16xf32>,
        tpu.vector_store %arg7[%swap3A_390, %swap3A_391], %gather3A_388 {strides = array<i32>} : memref<2x4096xf32, #tpu.memory_space<vmem>>, vector<16xf32>,
        %add3A_393 = arith.constant 192 : i32
        %add3A_394 = arith.addi %mul3A_263, %add3A_393 : i32
        %get3A_395 = arith.constant 1 : i32
        %get3A_396 = arith.index_cast %get3A_395 : i32 to index
        %get3A_397 = arith.index_cast %add3A_394 : i32 to index
        %get3A_398 = tpu.vector_load %arg6[%get3A_396, %get3A_397] {strides = array<i32>} : memref<2x4096xi32, #tpu.memory_space<vmem>>, vector<16xi32>,
        %gather3A_399 = tpu.vector_load_idx %arg5[%get3A_398] : memref<100000xf32, #tpu.memory_space<vmem>>[vector<16xi32>], vector<16xf32>,
        %swap3A_400 = arith.constant 1 : i32
        %swap3A_401 = arith.index_cast %swap3A_400 : i32 to index
        %swap3A_402 = arith.index_cast %add3A_394 : i32 to index
        %swap3A_403 = tpu.vector_load %arg7[%swap3A_401, %swap3A_402] {strides = array<i32>} : memref<2x4096xf32, #tpu.memory_space<vmem>>, vector<16xf32>,
        tpu.vector_store %arg7[%swap3A_401, %swap3A_402], %gather3A_399 {strides = array<i32>} : memref<2x4096xf32, #tpu.memory_space<vmem>>, vector<16xf32>,
        %add3A_404 = arith.constant 208 : i32
        %add3A_405 = arith.addi %mul3A_263, %add3A_404 : i32
        %get3A_406 = arith.constant 1 : i32
        %get3A_407 = arith.index_cast %get3A_406 : i32 to index
        %get3A_408 = arith.index_cast %add3A_405 : i32 to index
        %get3A_409 = tpu.vector_load %arg6[%get3A_407, %get3A_408] {strides = array<i32>} : memref<2x4096xi32, #tpu.memory_space<vmem>>, vector<16xi32>,
        %gather3A_410 = tpu.vector_load_idx %arg5[%get3A_409] : memref<100000xf32, #tpu.memory_space<vmem>>[vector<16xi32>], vector<16xf32>,
        %swap3A_411 = arith.constant 1 : i32
        %swap3A_412 = arith.index_cast %swap3A_411 : i32 to index
        %swap3A_413 = arith.index_cast %add3A_405 : i32 to index
        %swap3A_414 = tpu.vector_load %arg7[%swap3A_412, %swap3A_413] {strides = array<i32>} : memref<2x4096xf32, #tpu.memory_space<vmem>>, vector<16xf32>,
        tpu.vector_store %arg7[%swap3A_412, %swap3A_413], %gather3A_410 {strides = array<i32>} : memref<2x4096xf32, #tpu.memory_space<vmem>>, vector<16xf32>,
        %add3A_415 = arith.constant 224 : i32
        %add3A_416 = arith.addi %mul3A_263, %add3A_415 : i32
        %get3A_417 = arith.constant 1 : i32
        %get3A_418 = arith.index_cast %get3A_417 : i32 to index
        %get3A_419 = arith.index_cast %add3A_416 : i32 to index
        %get3A_420 = tpu.vector_load %arg6[%get3A_418, %get3A_419] {strides = array<i32>} : memref<2x4096xi32, #tpu.memory_space<vmem>>, vector<16xi32>,
        %gather3A_421 = tpu.vector_load_idx %arg5[%get3A_420] : memref<100000xf32, #tpu.memory_space<vmem>>[vector<16xi32>], vector<16xf32>,
        %swap3A_422 = arith.constant 1 : i32
        %swap3A_423 = arith.index_cast %swap3A_422 : i32 to index
        %swap3A_424 = arith.index_cast %add3A_416 : i32 to index
        %swap3A_425 = tpu.vector_load %arg7[%swap3A_423, %swap3A_424] {strides = array<i32>} : memref<2x4096xf32, #tpu.memory_space<vmem>>, vector<16xf32>,
        tpu.vector_store %arg7[%swap3A_423, %swap3A_424], %gather3A_421 {strides = array<i32>} : memref<2x4096xf32, #tpu.memory_space<vmem>>, vector<16xf32>,
        %add3A_426 = arith.constant 240 : i32
        %add3A_427 = arith.addi %mul3A_263, %add3A_426 : i32
        %get3A_428 = arith.constant 1 : i32
        %get3A_429 = arith.index_cast %get3A_428 : i32 to index
        %get3A_430 = arith.index_cast %add3A_427 : i32 to index
        %get3A_431 = tpu.vector_load %arg6[%get3A_429, %get3A_430] {strides = array<i32>} : memref<2x4096xi32, #tpu.memory_space<vmem>>, vector<16xi32>,
        %gather3A_432 = tpu.vector_load_idx %arg5[%get3A_431] : memref<100000xf32, #tpu.memory_space<vmem>>[vector<16xi32>], vector<16xf32>,
        %swap3A_433 = arith.constant 1 : i32
        %swap3A_434 = arith.index_cast %swap3A_433 : i32 to index
        %swap3A_435 = arith.index_cast %add3A_427 : i32 to index
        %swap3A_436 = tpu.vector_load %arg7[%swap3A_434, %swap3A_435] {strides = array<i32>} : memref<2x4096xf32, #tpu.memory_space<vmem>>, vector<16xf32>,
        tpu.vector_store %arg7[%swap3A_434, %swap3A_435], %gather3A_432 {strides = array<i32>} : memref<2x4096xf32, #tpu.memory_space<vmem>>, vector<16xf32>,
      }
      %scan3A_144 = arith.constant 16 : i32
      %dma_start3A_145 = arith.constant 1 : i32
      %dma_start3A_146 = arith.constant 0 : i32
      %dma_start3A_147 = tpu.memref_slice %arg7[%dma_start3A_145, %dma_start3A_146] : memref<2x4096xf32, #tpu.memory_space<vmem>> -> memref<1x4096xf32, #tpu.memory_space<vmem>>
      %dma_start3A_148 = tpu.memref_squeeze %dma_start3A_147 : memref<1x4096xf32, #tpu.memory_space<vmem>> -> memref<4096xf32, #tpu.memory_space<vmem>>
      %dma_start3A_149 = arith.constant 4096 : i32
      %dma_start3A_150 = tpu.memref_slice %arg4[%add3A_36, %dma_start3A_149] : memref<832x16384xf32, #tpu.memory_space<hbm>> -> memref<1x4096xf32, #tpu.memory_space<hbm>>
      %dma_start3A_151 = tpu.memref_squeeze %dma_start3A_150 : memref<1x4096xf32, #tpu.memory_space<hbm>> -> memref<4096xf32, #tpu.memory_space<hbm>>
      %dma_start3A_152 = arith.constant 4096 : i32
      %dma_start3A_153 = tpu.memref_slice %arg4[%add3A_36, %dma_start3A_152] : memref<832x16384xf32, #tpu.memory_space<hbm>> -> memref<1x4096xf32, #tpu.memory_space<hbm>>
      %dma_start3A_154 = tpu.memref_squeeze %dma_start3A_153 : memref<1x4096xf32, #tpu.memory_space<hbm>> -> memref<4096xf32, #tpu.memory_space<hbm>>
      %dma_start3A_155 = arith.constant 0 : i32
      %dma_start3A_156 = tpu.memref_slice %arg7[%dma_start3A_145, %dma_start3A_155] : memref<2x4096xf32, #tpu.memory_space<vmem>> -> memref<1x4096xf32, #tpu.memory_space<vmem>>
      %dma_start3A_157 = tpu.memref_squeeze %dma_start3A_156 : memref<1x4096xf32, #tpu.memory_space<vmem>> -> memref<4096xf32, #tpu.memory_space<vmem>>
      tpu.enqueue_dma source(%dma_start3A_157 : memref<4096xf32, #tpu.memory_space<vmem>>) target(%dma_start3A_154 : memref<4096xf32, #tpu.memory_space<hbm>>) target_semaphore(%arg9 : memref<!tpu.dma_semaphore, #tpu.memory_space<semaphore_mem>>)
      %dma_wait3A_158 = arith.constant 0 : i32
      %dma_wait3A_159 = arith.constant 0 : i32
      %dma_wait3A_160 = tpu.memref_slice %arg6[%dma_wait3A_158, %dma_wait3A_159] : memref<2x4096xi32, #tpu.memory_space<vmem>> -> memref<1x4096xi32, #tpu.memory_space<vmem>>
      %dma_wait3A_161 = tpu.memref_squeeze %dma_wait3A_160 : memref<1x4096xi32, #tpu.memory_space<vmem>> -> memref<4096xi32, #tpu.memory_space<vmem>>
      %dma_wait3A_162 = arith.constant 8192 : i32
      %dma_wait3A_163 = tpu.memref_slice %arg3[%scan3A_33, %dma_wait3A_162] : memref<26x16384xi32, #tpu.memory_space<hbm>> -> memref<1x4096xi32, #tpu.memory_space<hbm>>
      %dma_wait3A_164 = tpu.memref_squeeze %dma_wait3A_163 : memref<1x4096xi32, #tpu.memory_space<hbm>> -> memref<4096xi32, #tpu.memory_space<hbm>>
      %dma_wait3A_165 = arith.constant 0 : i32
      %dma_wait3A_166 = tpu.memref_slice %arg6[%dma_wait3A_158, %dma_wait3A_165] : memref<2x4096xi32, #tpu.memory_space<vmem>> -> memref<1x4096xi32, #tpu.memory_space<vmem>>
      %dma_wait3A_167 = tpu.memref_squeeze %dma_wait3A_166 : memref<1x4096xi32, #tpu.memory_space<vmem>> -> memref<4096xi32, #tpu.memory_space<vmem>>
      %dma_wait3A_168 = arith.constant 8192 : i32
      %dma_wait3A_169 = tpu.memref_slice %arg3[%scan3A_33, %dma_wait3A_168] : memref<26x16384xi32, #tpu.memory_space<hbm>> -> memref<1x4096xi32, #tpu.memory_space<hbm>>
      %dma_wait3A_170 = tpu.memref_squeeze %dma_wait3A_169 : memref<1x4096xi32, #tpu.memory_space<hbm>> -> memref<4096xi32, #tpu.memory_space<hbm>>
      tpu.wait_dma2 semaphore(%arg8 : memref<!tpu.dma_semaphore, #tpu.memory_space<semaphore_mem>>) src(%dma_wait3A_170 : memref<4096xi32, #tpu.memory_space<hbm>>) dst(%dma_wait3A_167 : memref<4096xi32, #tpu.memory_space<vmem>>)
      %dma_start3A_171 = arith.constant 1 : i32
      %dma_start3A_172 = arith.constant 0 : i32
      %dma_start3A_173 = tpu.memref_slice %arg6[%dma_start3A_171, %dma_start3A_172] : memref<2x4096xi32, #tpu.memory_space<vmem>> -> memref<1x4096xi32, #tpu.memory_space<vmem>>
      %dma_start3A_174 = tpu.memref_squeeze %dma_start3A_173 : memref<1x4096xi32, #tpu.memory_space<vmem>> -> memref<4096xi32, #tpu.memory_space<vmem>>
      %dma_start3A_175 = arith.constant 12288 : i32
      %dma_start3A_176 = tpu.memref_slice %arg3[%scan3A_33, %dma_start3A_175] : memref<26x16384xi32, #tpu.memory_space<hbm>> -> memref<1x4096xi32, #tpu.memory_space<hbm>>
      %dma_start3A_177 = tpu.memref_squeeze %dma_start3A_176 : memref<1x4096xi32, #tpu.memory_space<hbm>> -> memref<4096xi32, #tpu.memory_space<hbm>>
      %dma_start3A_178 = arith.constant 0 : i32
      %dma_start3A_179 = tpu.memref_slice %arg6[%dma_start3A_171, %dma_start3A_178] : memref<2x4096xi32, #tpu.memory_space<vmem>> -> memref<1x4096xi32, #tpu.memory_space<vmem>>
      %dma_start3A_180 = tpu.memref_squeeze %dma_start3A_179 : memref<1x4096xi32, #tpu.memory_space<vmem>> -> memref<4096xi32, #tpu.memory_space<vmem>>
      %dma_start3A_181 = arith.constant 12288 : i32
      %dma_start3A_182 = tpu.memref_slice %arg3[%scan3A_33, %dma_start3A_181] : memref<26x16384xi32, #tpu.memory_space<hbm>> -> memref<1x4096xi32, #tpu.memory_space<hbm>>
      %dma_start3A_183 = tpu.memref_squeeze %dma_start3A_182 : memref<1x4096xi32, #tpu.memory_space<hbm>> -> memref<4096xi32, #tpu.memory_space<hbm>>
      tpu.enqueue_dma source(%dma_start3A_183 : memref<4096xi32, #tpu.memory_space<hbm>>) target(%dma_start3A_180 : memref<4096xi32, #tpu.memory_space<vmem>>) target_semaphore(%arg8 : memref<!tpu.dma_semaphore, #tpu.memory_space<semaphore_mem>>)
      %dma_wait3A_184 = arith.constant 0 : i32
      %dma_wait3A_185 = arith.constant 0 : i32
      %dma_wait3A_186 = tpu.memref_slice %arg7[%dma_wait3A_184, %dma_wait3A_185] : memref<2x4096xf32, #tpu.memory_space<vmem>> -> memref<1x4096xf32, #tpu.memory_space<vmem>>
      %dma_wait3A_187 = tpu.memref_squeeze %dma_wait3A_186 : memref<1x4096xf32, #tpu.memory_space<vmem>> -> memref<4096xf32, #tpu.memory_space<vmem>>
      %dma_wait3A_188 = arith.constant 0 : i32
      %dma_wait3A_189 = tpu.memref_slice %arg4[%add3A_36, %dma_wait3A_188] : memref<832x16384xf32, #tpu.memory_space<hbm>> -> memref<1x4096xf32, #tpu.memory_space<hbm>>
      %dma_wait3A_190 = tpu.memref_squeeze %dma_wait3A_189 : memref<1x4096xf32, #tpu.memory_space<hbm>> -> memref<4096xf32, #tpu.memory_space<hbm>>
      %dma_wait3A_191 = arith.constant 0 : i32
      %dma_wait3A_192 = tpu.memref_slice %arg4[%add3A_36, %dma_wait3A_191] : memref<832x16384xf32, #tpu.memory_space<hbm>> -> memref<1x4096xf32, #tpu.memory_space<hbm>>
      %dma_wait3A_193 = tpu.memref_squeeze %dma_wait3A_192 : memref<1x4096xf32, #tpu.memory_space<hbm>> -> memref<4096xf32, #tpu.memory_space<hbm>>
      %dma_wait3A_194 = arith.constant 0 : i32
      %dma_wait3A_195 = tpu.memref_slice %arg7[%dma_wait3A_184, %dma_wait3A_194] : memref<2x4096xf32, #tpu.memory_space<vmem>> -> memref<1x4096xf32, #tpu.memory_space<vmem>>
      %dma_wait3A_196 = tpu.memref_squeeze %dma_wait3A_195 : memref<1x4096xf32, #tpu.memory_space<vmem>> -> memref<4096xf32, #tpu.memory_space<vmem>>
      tpu.wait_dma2 semaphore(%arg9 : memref<!tpu.dma_semaphore, #tpu.memory_space<semaphore_mem>>) src(%dma_wait3A_196 : memref<4096xf32, #tpu.memory_space<vmem>>) dst(%dma_wait3A_193 : memref<4096xf32, #tpu.memory_space<hbm>>)
      %scan3A_197 = arith.constant 0 : i32
      %scan3A_198 = arith.constant 0 : i32
      %scan3A_199 = arith.constant 16 : i32
      %scan3A_200 = arith.addi %scan3A_198, %scan3A_199 : i32
      %scan3A_201 = arith.constant 1 : i32
      scf.for %scan3A_261 = %scan3A_198 to %scan3A_200 step %scan3A_201  : i32 {
        %mul3A_262 = arith.constant 256 : i32
        %mul3A_263 = arith.muli %scan3A_261, %mul3A_262 : i32
        %add3A_264 = arith.constant 0 : i32
        %add3A_265 = arith.addi %mul3A_263, %add3A_264 : i32
        %get3A = arith.constant 0 : i32
        %get3A_266 = arith.index_cast %get3A : i32 to index
        %get3A_267 = arith.index_cast %add3A_265 : i32 to index
        %get3A_268 = tpu.vector_load %arg6[%get3A_266, %get3A_267] {strides = array<i32>} : memref<2x4096xi32, #tpu.memory_space<vmem>>, vector<16xi32>,
        %gather3A = tpu.vector_load_idx %arg5[%get3A_268] : memref<100000xf32, #tpu.memory_space<vmem>>[vector<16xi32>], vector<16xf32>,
        %swap3A = arith.constant 0 : i32
        %swap3A_269 = arith.index_cast %swap3A : i32 to index
        %swap3A_270 = arith.index_cast %add3A_265 : i32 to index
        %swap3A_271 = tpu.vector_load %arg7[%swap3A_269, %swap3A_270] {strides = array<i32>} : memref<2x4096xf32, #tpu.memory_space<vmem>>, vector<16xf32>,
        tpu.vector_store %arg7[%swap3A_269, %swap3A_270], %gather3A {strides = array<i32>} : memref<2x4096xf32, #tpu.memory_space<vmem>>, vector<16xf32>,
        %add3A_272 = arith.constant 16 : i32
        %add3A_273 = arith.addi %mul3A_263, %add3A_272 : i32
        %get3A_274 = arith.constant 0 : i32
        %get3A_275 = arith.index_cast %get3A_274 : i32 to index
        %get3A_276 = arith.index_cast %add3A_273 : i32 to index
        %get3A_277 = tpu.vector_load %arg6[%get3A_275, %get3A_276] {strides = array<i32>} : memref<2x4096xi32, #tpu.memory_space<vmem>>, vector<16xi32>,
        %gather3A_278 = tpu.vector_load_idx %arg5[%get3A_277] : memref<100000xf32, #tpu.memory_space<vmem>>[vector<16xi32>], vector<16xf32>,
        %swap3A_279 = arith.constant 0 : i32
        %swap3A_280 = arith.index_cast %swap3A_279 : i32 to index
        %swap3A_281 = arith.index_cast %add3A_273 : i32 to index
        %swap3A_282 = tpu.vector_load %arg7[%swap3A_280, %swap3A_281] {strides = array<i32>} : memref<2x4096xf32, #tpu.memory_space<vmem>>, vector<16xf32>,
        tpu.vector_store %arg7[%swap3A_280, %swap3A_281], %gather3A_278 {strides = array<i32>} : memref<2x4096xf32, #tpu.memory_space<vmem>>, vector<16xf32>,
        %add3A_283 = arith.constant 32 : i32
        %add3A_284 = arith.addi %mul3A_263, %add3A_283 : i32
        %get3A_285 = arith.constant 0 : i32
        %get3A_286 = arith.index_cast %get3A_285 : i32 to index
        %get3A_287 = arith.index_cast %add3A_284 : i32 to index
        %get3A_288 = tpu.vector_load %arg6[%get3A_286, %get3A_287] {strides = array<i32>} : memref<2x4096xi32, #tpu.memory_space<vmem>>, vector<16xi32>,
        %gather3A_289 = tpu.vector_load_idx %arg5[%get3A_288] : memref<100000xf32, #tpu.memory_space<vmem>>[vector<16xi32>], vector<16xf32>,
        %swap3A_290 = arith.constant 0 : i32
        %swap3A_291 = arith.index_cast %swap3A_290 : i32 to index
        %swap3A_292 = arith.index_cast %add3A_284 : i32 to index
        %swap3A_293 = tpu.vector_load %arg7[%swap3A_291, %swap3A_292] {strides = array<i32>} : memref<2x4096xf32, #tpu.memory_space<vmem>>, vector<16xf32>,
        tpu.vector_store %arg7[%swap3A_291, %swap3A_292], %gather3A_289 {strides = array<i32>} : memref<2x4096xf32, #tpu.memory_space<vmem>>, vector<16xf32>,
        %add3A_294 = arith.constant 48 : i32
        %add3A_295 = arith.addi %mul3A_263, %add3A_294 : i32
        %get3A_296 = arith.constant 0 : i32
        %get3A_297 = arith.index_cast %get3A_296 : i32 to index
        %get3A_298 = arith.index_cast %add3A_295 : i32 to index
        %get3A_299 = tpu.vector_load %arg6[%get3A_297, %get3A_298] {strides = array<i32>} : memref<2x4096xi32, #tpu.memory_space<vmem>>, vector<16xi32>,
        %gather3A_300 = tpu.vector_load_idx %arg5[%get3A_299] : memref<100000xf32, #tpu.memory_space<vmem>>[vector<16xi32>], vector<16xf32>,
        %swap3A_301 = arith.constant 0 : i32
        %swap3A_302 = arith.index_cast %swap3A_301 : i32 to index
        %swap3A_303 = arith.index_cast %add3A_295 : i32 to index
        %swap3A_304 = tpu.vector_load %arg7[%swap3A_302, %swap3A_303] {strides = array<i32>} : memref<2x4096xf32, #tpu.memory_space<vmem>>, vector<16xf32>,
        tpu.vector_store %arg7[%swap3A_302, %swap3A_303], %gather3A_300 {strides = array<i32>} : memref<2x4096xf32, #tpu.memory_space<vmem>>, vector<16xf32>,
        %add3A_305 = arith.constant 64 : i32
        %add3A_306 = arith.addi %mul3A_263, %add3A_305 : i32
        %get3A_307 = arith.constant 0 : i32
        %get3A_308 = arith.index_cast %get3A_307 : i32 to index
        %get3A_309 = arith.index_cast %add3A_306 : i32 to index
        %get3A_310 = tpu.vector_load %arg6[%get3A_308, %get3A_309] {strides = array<i32>} : memref<2x4096xi32, #tpu.memory_space<vmem>>, vector<16xi32>,
        %gather3A_311 = tpu.vector_load_idx %arg5[%get3A_310] : memref<100000xf32, #tpu.memory_space<vmem>>[vector<16xi32>], vector<16xf32>,
        %swap3A_312 = arith.constant 0 : i32
        %swap3A_313 = arith.index_cast %swap3A_312 : i32 to index
        %swap3A_314 = arith.index_cast %add3A_306 : i32 to index
        %swap3A_315 = tpu.vector_load %arg7[%swap3A_313, %swap3A_314] {strides = array<i32>} : memref<2x4096xf32, #tpu.memory_space<vmem>>, vector<16xf32>,
        tpu.vector_store %arg7[%swap3A_313, %swap3A_314], %gather3A_311 {strides = array<i32>} : memref<2x4096xf32, #tpu.memory_space<vmem>>, vector<16xf32>,
        %add3A_316 = arith.constant 80 : i32
        %add3A_317 = arith.addi %mul3A_263, %add3A_316 : i32
        %get3A_318 = arith.constant 0 : i32
        %get3A_319 = arith.index_cast %get3A_318 : i32 to index
        %get3A_320 = arith.index_cast %add3A_317 : i32 to index
        %get3A_321 = tpu.vector_load %arg6[%get3A_319, %get3A_320] {strides = array<i32>} : memref<2x4096xi32, #tpu.memory_space<vmem>>, vector<16xi32>,
        %gather3A_322 = tpu.vector_load_idx %arg5[%get3A_321] : memref<100000xf32, #tpu.memory_space<vmem>>[vector<16xi32>], vector<16xf32>,
        %swap3A_323 = arith.constant 0 : i32
        %swap3A_324 = arith.index_cast %swap3A_323 : i32 to index
        %swap3A_325 = arith.index_cast %add3A_317 : i32 to index
        %swap3A_326 = tpu.vector_load %arg7[%swap3A_324, %swap3A_325] {strides = array<i32>} : memref<2x4096xf32, #tpu.memory_space<vmem>>, vector<16xf32>,
        tpu.vector_store %arg7[%swap3A_324, %swap3A_325], %gather3A_322 {strides = array<i32>} : memref<2x4096xf32, #tpu.memory_space<vmem>>, vector<16xf32>,
        %add3A_327 = arith.constant 96 : i32
        %add3A_328 = arith.addi %mul3A_263, %add3A_327 : i32
        %get3A_329 = arith.constant 0 : i32
        %get3A_330 = arith.index_cast %get3A_329 : i32 to index
        %get3A_331 = arith.index_cast %add3A_328 : i32 to index
        %get3A_332 = tpu.vector_load %arg6[%get3A_330, %get3A_331] {strides = array<i32>} : memref<2x4096xi32, #tpu.memory_space<vmem>>, vector<16xi32>,
        %gather3A_333 = tpu.vector_load_idx %arg5[%get3A_332] : memref<100000xf32, #tpu.memory_space<vmem>>[vector<16xi32>], vector<16xf32>,
        %swap3A_334 = arith.constant 0 : i32
        %swap3A_335 = arith.index_cast %swap3A_334 : i32 to index
        %swap3A_336 = arith.index_cast %add3A_328 : i32 to index
        %swap3A_337 = tpu.vector_load %arg7[%swap3A_335, %swap3A_336] {strides = array<i32>} : memref<2x4096xf32, #tpu.memory_space<vmem>>, vector<16xf32>,
        tpu.vector_store %arg7[%swap3A_335, %swap3A_336], %gather3A_333 {strides = array<i32>} : memref<2x4096xf32, #tpu.memory_space<vmem>>, vector<16xf32>,
        %add3A_338 = arith.constant 112 : i32
        %add3A_339 = arith.addi %mul3A_263, %add3A_338 : i32
        %get3A_340 = arith.constant 0 : i32
        %get3A_341 = arith.index_cast %get3A_340 : i32 to index
        %get3A_342 = arith.index_cast %add3A_339 : i32 to index
        %get3A_343 = tpu.vector_load %arg6[%get3A_341, %get3A_342] {strides = array<i32>} : memref<2x4096xi32, #tpu.memory_space<vmem>>, vector<16xi32>,
        %gather3A_344 = tpu.vector_load_idx %arg5[%get3A_343] : memref<100000xf32, #tpu.memory_space<vmem>>[vector<16xi32>], vector<16xf32>,
        %swap3A_345 = arith.constant 0 : i32
        %swap3A_346 = arith.index_cast %swap3A_345 : i32 to index
        %swap3A_347 = arith.index_cast %add3A_339 : i32 to index
        %swap3A_348 = tpu.vector_load %arg7[%swap3A_346, %swap3A_347] {strides = array<i32>} : memref<2x4096xf32, #tpu.memory_space<vmem>>, vector<16xf32>,
        tpu.vector_store %arg7[%swap3A_346, %swap3A_347], %gather3A_344 {strides = array<i32>} : memref<2x4096xf32, #tpu.memory_space<vmem>>, vector<16xf32>,
        %add3A_349 = arith.constant 128 : i32
        %add3A_350 = arith.addi %mul3A_263, %add3A_349 : i32
        %get3A_351 = arith.constant 0 : i32
        %get3A_352 = arith.index_cast %get3A_351 : i32 to index
        %get3A_353 = arith.index_cast %add3A_350 : i32 to index
        %get3A_354 = tpu.vector_load %arg6[%get3A_352, %get3A_353] {strides = array<i32>} : memref<2x4096xi32, #tpu.memory_space<vmem>>, vector<16xi32>,
        %gather3A_355 = tpu.vector_load_idx %arg5[%get3A_354] : memref<100000xf32, #tpu.memory_space<vmem>>[vector<16xi32>], vector<16xf32>,
        %swap3A_356 = arith.constant 0 : i32
        %swap3A_357 = arith.index_cast %swap3A_356 : i32 to index
        %swap3A_358 = arith.index_cast %add3A_350 : i32 to index
        %swap3A_359 = tpu.vector_load %arg7[%swap3A_357, %swap3A_358] {strides = array<i32>} : memref<2x4096xf32, #tpu.memory_space<vmem>>, vector<16xf32>,
        tpu.vector_store %arg7[%swap3A_357, %swap3A_358], %gather3A_355 {strides = array<i32>} : memref<2x4096xf32, #tpu.memory_space<vmem>>, vector<16xf32>,
        %add3A_360 = arith.constant 144 : i32
        %add3A_361 = arith.addi %mul3A_263, %add3A_360 : i32
        %get3A_362 = arith.constant 0 : i32
        %get3A_363 = arith.index_cast %get3A_362 : i32 to index
        %get3A_364 = arith.index_cast %add3A_361 : i32 to index
        %get3A_365 = tpu.vector_load %arg6[%get3A_363, %get3A_364] {strides = array<i32>} : memref<2x4096xi32, #tpu.memory_space<vmem>>, vector<16xi32>,
        %gather3A_366 = tpu.vector_load_idx %arg5[%get3A_365] : memref<100000xf32, #tpu.memory_space<vmem>>[vector<16xi32>], vector<16xf32>,
        %swap3A_367 = arith.constant 0 : i32
        %swap3A_368 = arith.index_cast %swap3A_367 : i32 to index
        %swap3A_369 = arith.index_cast %add3A_361 : i32 to index
        %swap3A_370 = tpu.vector_load %arg7[%swap3A_368, %swap3A_369] {strides = array<i32>} : memref<2x4096xf32, #tpu.memory_space<vmem>>, vector<16xf32>,
        tpu.vector_store %arg7[%swap3A_368, %swap3A_369], %gather3A_366 {strides = array<i32>} : memref<2x4096xf32, #tpu.memory_space<vmem>>, vector<16xf32>,
        %add3A_371 = arith.constant 160 : i32
        %add3A_372 = arith.addi %mul3A_263, %add3A_371 : i32
        %get3A_373 = arith.constant 0 : i32
        %get3A_374 = arith.index_cast %get3A_373 : i32 to index
        %get3A_375 = arith.index_cast %add3A_372 : i32 to index
        %get3A_376 = tpu.vector_load %arg6[%get3A_374, %get3A_375] {strides = array<i32>} : memref<2x4096xi32, #tpu.memory_space<vmem>>, vector<16xi32>,
        %gather3A_377 = tpu.vector_load_idx %arg5[%get3A_376] : memref<100000xf32, #tpu.memory_space<vmem>>[vector<16xi32>], vector<16xf32>,
        %swap3A_378 = arith.constant 0 : i32
        %swap3A_379 = arith.index_cast %swap3A_378 : i32 to index
        %swap3A_380 = arith.index_cast %add3A_372 : i32 to index
        %swap3A_381 = tpu.vector_load %arg7[%swap3A_379, %swap3A_380] {strides = array<i32>} : memref<2x4096xf32, #tpu.memory_space<vmem>>, vector<16xf32>,
        tpu.vector_store %arg7[%swap3A_379, %swap3A_380], %gather3A_377 {strides = array<i32>} : memref<2x4096xf32, #tpu.memory_space<vmem>>, vector<16xf32>,
        %add3A_382 = arith.constant 176 : i32
        %add3A_383 = arith.addi %mul3A_263, %add3A_382 : i32
        %get3A_384 = arith.constant 0 : i32
        %get3A_385 = arith.index_cast %get3A_384 : i32 to index
        %get3A_386 = arith.index_cast %add3A_383 : i32 to index
        %get3A_387 = tpu.vector_load %arg6[%get3A_385, %get3A_386] {strides = array<i32>} : memref<2x4096xi32, #tpu.memory_space<vmem>>, vector<16xi32>,
        %gather3A_388 = tpu.vector_load_idx %arg5[%get3A_387] : memref<100000xf32, #tpu.memory_space<vmem>>[vector<16xi32>], vector<16xf32>,
        %swap3A_389 = arith.constant 0 : i32
        %swap3A_390 = arith.index_cast %swap3A_389 : i32 to index
        %swap3A_391 = arith.index_cast %add3A_383 : i32 to index
        %swap3A_392 = tpu.vector_load %arg7[%swap3A_390, %swap3A_391] {strides = array<i32>} : memref<2x4096xf32, #tpu.memory_space<vmem>>, vector<16xf32>,
        tpu.vector_store %arg7[%swap3A_390, %swap3A_391], %gather3A_388 {strides = array<i32>} : memref<2x4096xf32, #tpu.memory_space<vmem>>, vector<16xf32>,
        %add3A_393 = arith.constant 192 : i32
        %add3A_394 = arith.addi %mul3A_263, %add3A_393 : i32
        %get3A_395 = arith.constant 0 : i32
        %get3A_396 = arith.index_cast %get3A_395 : i32 to index
        %get3A_397 = arith.index_cast %add3A_394 : i32 to index
        %get3A_398 = tpu.vector_load %arg6[%get3A_396, %get3A_397] {strides = array<i32>} : memref<2x4096xi32, #tpu.memory_space<vmem>>, vector<16xi32>,
        %gather3A_399 = tpu.vector_load_idx %arg5[%get3A_398] : memref<100000xf32, #tpu.memory_space<vmem>>[vector<16xi32>], vector<16xf32>,
        %swap3A_400 = arith.constant 0 : i32
        %swap3A_401 = arith.index_cast %swap3A_400 : i32 to index
        %swap3A_402 = arith.index_cast %add3A_394 : i32 to index
        %swap3A_403 = tpu.vector_load %arg7[%swap3A_401, %swap3A_402] {strides = array<i32>} : memref<2x4096xf32, #tpu.memory_space<vmem>>, vector<16xf32>,
        tpu.vector_store %arg7[%swap3A_401, %swap3A_402], %gather3A_399 {strides = array<i32>} : memref<2x4096xf32, #tpu.memory_space<vmem>>, vector<16xf32>,
        %add3A_404 = arith.constant 208 : i32
        %add3A_405 = arith.addi %mul3A_263, %add3A_404 : i32
        %get3A_406 = arith.constant 0 : i32
        %get3A_407 = arith.index_cast %get3A_406 : i32 to index
        %get3A_408 = arith.index_cast %add3A_405 : i32 to index
        %get3A_409 = tpu.vector_load %arg6[%get3A_407, %get3A_408] {strides = array<i32>} : memref<2x4096xi32, #tpu.memory_space<vmem>>, vector<16xi32>,
        %gather3A_410 = tpu.vector_load_idx %arg5[%get3A_409] : memref<100000xf32, #tpu.memory_space<vmem>>[vector<16xi32>], vector<16xf32>,
        %swap3A_411 = arith.constant 0 : i32
        %swap3A_412 = arith.index_cast %swap3A_411 : i32 to index
        %swap3A_413 = arith.index_cast %add3A_405 : i32 to index
        %swap3A_414 = tpu.vector_load %arg7[%swap3A_412, %swap3A_413] {strides = array<i32>} : memref<2x4096xf32, #tpu.memory_space<vmem>>, vector<16xf32>,
        tpu.vector_store %arg7[%swap3A_412, %swap3A_413], %gather3A_410 {strides = array<i32>} : memref<2x4096xf32, #tpu.memory_space<vmem>>, vector<16xf32>,
        %add3A_415 = arith.constant 224 : i32
        %add3A_416 = arith.addi %mul3A_263, %add3A_415 : i32
        %get3A_417 = arith.constant 0 : i32
        %get3A_418 = arith.index_cast %get3A_417 : i32 to index
        %get3A_419 = arith.index_cast %add3A_416 : i32 to index
        %get3A_420 = tpu.vector_load %arg6[%get3A_418, %get3A_419] {strides = array<i32>} : memref<2x4096xi32, #tpu.memory_space<vmem>>, vector<16xi32>,
        %gather3A_421 = tpu.vector_load_idx %arg5[%get3A_420] : memref<100000xf32, #tpu.memory_space<vmem>>[vector<16xi32>], vector<16xf32>,
        %swap3A_422 = arith.constant 0 : i32
        %swap3A_423 = arith.index_cast %swap3A_422 : i32 to index
        %swap3A_424 = arith.index_cast %add3A_416 : i32 to index
        %swap3A_425 = tpu.vector_load %arg7[%swap3A_423, %swap3A_424] {strides = array<i32>} : memref<2x4096xf32, #tpu.memory_space<vmem>>, vector<16xf32>,
        tpu.vector_store %arg7[%swap3A_423, %swap3A_424], %gather3A_421 {strides = array<i32>} : memref<2x4096xf32, #tpu.memory_space<vmem>>, vector<16xf32>,
        %add3A_426 = arith.constant 240 : i32
        %add3A_427 = arith.addi %mul3A_263, %add3A_426 : i32
        %get3A_428 = arith.constant 0 : i32
        %get3A_429 = arith.index_cast %get3A_428 : i32 to index
        %get3A_430 = arith.index_cast %add3A_427 : i32 to index
        %get3A_431 = tpu.vector_load %arg6[%get3A_429, %get3A_430] {strides = array<i32>} : memref<2x4096xi32, #tpu.memory_space<vmem>>, vector<16xi32>,
        %gather3A_432 = tpu.vector_load_idx %arg5[%get3A_431] : memref<100000xf32, #tpu.memory_space<vmem>>[vector<16xi32>], vector<16xf32>,
        %swap3A_433 = arith.constant 0 : i32
        %swap3A_434 = arith.index_cast %swap3A_433 : i32 to index
        %swap3A_435 = arith.index_cast %add3A_427 : i32 to index
        %swap3A_436 = tpu.vector_load %arg7[%swap3A_434, %swap3A_435] {strides = array<i32>} : memref<2x4096xf32, #tpu.memory_space<vmem>>, vector<16xf32>,
        tpu.vector_store %arg7[%swap3A_434, %swap3A_435], %gather3A_432 {strides = array<i32>} : memref<2x4096xf32, #tpu.memory_space<vmem>>, vector<16xf32>,
      }
      %scan3A_202 = arith.constant 16 : i32
      %dma_start3A_203 = arith.constant 0 : i32
      %dma_start3A_204 = arith.constant 0 : i32
      %dma_start3A_205 = tpu.memref_slice %arg7[%dma_start3A_203, %dma_start3A_204] : memref<2x4096xf32, #tpu.memory_space<vmem>> -> memref<1x4096xf32, #tpu.memory_space<vmem>>
      %dma_start3A_206 = tpu.memref_squeeze %dma_start3A_205 : memref<1x4096xf32, #tpu.memory_space<vmem>> -> memref<4096xf32, #tpu.memory_space<vmem>>
      %dma_start3A_207 = arith.constant 8192 : i32
      %dma_start3A_208 = tpu.memref_slice %arg4[%add3A_36, %dma_start3A_207] : memref<832x16384xf32, #tpu.memory_space<hbm>> -> memref<1x4096xf32, #tpu.memory_space<hbm>>
      %dma_start3A_209 = tpu.memref_squeeze %dma_start3A_208 : memref<1x4096xf32, #tpu.memory_space<hbm>> -> memref<4096xf32, #tpu.memory_space<hbm>>
      %dma_start3A_210 = arith.constant 8192 : i32
      %dma_start3A_211 = tpu.memref_slice %arg4[%add3A_36, %dma_start3A_210] : memref<832x16384xf32, #tpu.memory_space<hbm>> -> memref<1x4096xf32, #tpu.memory_space<hbm>>
      %dma_start3A_212 = tpu.memref_squeeze %dma_start3A_211 : memref<1x4096xf32, #tpu.memory_space<hbm>> -> memref<4096xf32, #tpu.memory_space<hbm>>
      %dma_start3A_213 = arith.constant 0 : i32
      %dma_start3A_214 = tpu.memref_slice %arg7[%dma_start3A_203, %dma_start3A_213] : memref<2x4096xf32, #tpu.memory_space<vmem>> -> memref<1x4096xf32, #tpu.memory_space<vmem>>
      %dma_start3A_215 = tpu.memref_squeeze %dma_start3A_214 : memref<1x4096xf32, #tpu.memory_space<vmem>> -> memref<4096xf32, #tpu.memory_space<vmem>>
      tpu.enqueue_dma source(%dma_start3A_215 : memref<4096xf32, #tpu.memory_space<vmem>>) target(%dma_start3A_212 : memref<4096xf32, #tpu.memory_space<hbm>>) target_semaphore(%arg9 : memref<!tpu.dma_semaphore, #tpu.memory_space<semaphore_mem>>)
      %dma_wait3A_216 = arith.constant 1 : i32
      %dma_wait3A_217 = arith.constant 0 : i32
      %dma_wait3A_218 = tpu.memref_slice %arg6[%dma_wait3A_216, %dma_wait3A_217] : memref<2x4096xi32, #tpu.memory_space<vmem>> -> memref<1x4096xi32, #tpu.memory_space<vmem>>
      %dma_wait3A_219 = tpu.memref_squeeze %dma_wait3A_218 : memref<1x4096xi32, #tpu.memory_space<vmem>> -> memref<4096xi32, #tpu.memory_space<vmem>>
      %dma_wait3A_220 = arith.constant 12288 : i32
      %dma_wait3A_221 = tpu.memref_slice %arg3[%scan3A_33, %dma_wait3A_220] : memref<26x16384xi32, #tpu.memory_space<hbm>> -> memref<1x4096xi32, #tpu.memory_space<hbm>>
      %dma_wait3A_222 = tpu.memref_squeeze %dma_wait3A_221 : memref<1x4096xi32, #tpu.memory_space<hbm>> -> memref<4096xi32, #tpu.memory_space<hbm>>
      %dma_wait3A_223 = arith.constant 0 : i32
      %dma_wait3A_224 = tpu.memref_slice %arg6[%dma_wait3A_216, %dma_wait3A_223] : memref<2x4096xi32, #tpu.memory_space<vmem>> -> memref<1x4096xi32, #tpu.memory_space<vmem>>
      %dma_wait3A_225 = tpu.memref_squeeze %dma_wait3A_224 : memref<1x4096xi32, #tpu.memory_space<vmem>> -> memref<4096xi32, #tpu.memory_space<vmem>>
      %dma_wait3A_226 = arith.constant 12288 : i32
      %dma_wait3A_227 = tpu.memref_slice %arg3[%scan3A_33, %dma_wait3A_226] : memref<26x16384xi32, #tpu.memory_space<hbm>> -> memref<1x4096xi32, #tpu.memory_space<hbm>>
      %dma_wait3A_228 = tpu.memref_squeeze %dma_wait3A_227 : memref<1x4096xi32, #tpu.memory_space<hbm>> -> memref<4096xi32, #tpu.memory_space<hbm>>
      tpu.wait_dma2 semaphore(%arg8 : memref<!tpu.dma_semaphore, #tpu.memory_space<semaphore_mem>>) src(%dma_wait3A_228 : memref<4096xi32, #tpu.memory_space<hbm>>) dst(%dma_wait3A_225 : memref<4096xi32, #tpu.memory_space<vmem>>)
      %dma_wait3A_229 = arith.constant 1 : i32
      %dma_wait3A_230 = arith.constant 0 : i32
      %dma_wait3A_231 = tpu.memref_slice %arg7[%dma_wait3A_229, %dma_wait3A_230] : memref<2x4096xf32, #tpu.memory_space<vmem>> -> memref<1x4096xf32, #tpu.memory_space<vmem>>
      %dma_wait3A_232 = tpu.memref_squeeze %dma_wait3A_231 : memref<1x4096xf32, #tpu.memory_space<vmem>> -> memref<4096xf32, #tpu.memory_space<vmem>>
      %dma_wait3A_233 = arith.constant 4096 : i32
      %dma_wait3A_234 = tpu.memref_slice %arg4[%add3A_36, %dma_wait3A_233] : memref<832x16384xf32, #tpu.memory_space<hbm>> -> memref<1x4096xf32, #tpu.memory_space<hbm>>
      %dma_wait3A_235 = tpu.memref_squeeze %dma_wait3A_234 : memref<1x4096xf32, #tpu.memory_space<hbm>> -> memref<4096xf32, #tpu.memory_space<hbm>>
      %dma_wait3A_236 = arith.constant 4096 : i32
      %dma_wait3A_237 = tpu.memref_slice %arg4[%add3A_36, %dma_wait3A_236] : memref<832x16384xf32, #tpu.memory_space<hbm>> -> memref<1x4096xf32, #tpu.memory_space<hbm>>
      %dma_wait3A_238 = tpu.memref_squeeze %dma_wait3A_237 : memref<1x4096xf32, #tpu.memory_space<hbm>> -> memref<4096xf32, #tpu.memory_space<hbm>>
      %dma_wait3A_239 = arith.constant 0 : i32
      %dma_wait3A_240 = tpu.memref_slice %arg7[%dma_wait3A_229, %dma_wait3A_239] : memref<2x4096xf32, #tpu.memory_space<vmem>> -> memref<1x4096xf32, #tpu.memory_space<vmem>>
      %dma_wait3A_241 = tpu.memref_squeeze %dma_wait3A_240 : memref<1x4096xf32, #tpu.memory_space<vmem>> -> memref<4096xf32, #tpu.memory_space<vmem>>
      tpu.wait_dma2 semaphore(%arg9 : memref<!tpu.dma_semaphore, #tpu.memory_space<semaphore_mem>>) src(%dma_wait3A_241 : memref<4096xf32, #tpu.memory_space<vmem>>) dst(%dma_wait3A_238 : memref<4096xf32, #tpu.memory_space<hbm>>)
      %scan3A_242 = arith.constant 0 : i32
      %scan3A_243 = arith.constant 0 : i32
      %scan3A_244 = arith.constant 16 : i32
      %scan3A_245 = arith.addi %scan3A_243, %scan3A_244 : i32
      %scan3A_246 = arith.constant 1 : i32
      scf.for %scan3A_261 = %scan3A_243 to %scan3A_245 step %scan3A_246  : i32 {
        %mul3A_262 = arith.constant 256 : i32
        %mul3A_263 = arith.muli %scan3A_261, %mul3A_262 : i32
        %add3A_264 = arith.constant 0 : i32
        %add3A_265 = arith.addi %mul3A_263, %add3A_264 : i32
        %get3A = arith.constant 1 : i32
        %get3A_266 = arith.index_cast %get3A : i32 to index
        %get3A_267 = arith.index_cast %add3A_265 : i32 to index
        %get3A_268 = tpu.vector_load %arg6[%get3A_266, %get3A_267] {strides = array<i32>} : memref<2x4096xi32, #tpu.memory_space<vmem>>, vector<16xi32>,
        %gather3A = tpu.vector_load_idx %arg5[%get3A_268] : memref<100000xf32, #tpu.memory_space<vmem>>[vector<16xi32>], vector<16xf32>,
        %swap3A = arith.constant 1 : i32
        %swap3A_269 = arith.index_cast %swap3A : i32 to index
        %swap3A_270 = arith.index_cast %add3A_265 : i32 to index
        %swap3A_271 = tpu.vector_load %arg7[%swap3A_269, %swap3A_270] {strides = array<i32>} : memref<2x4096xf32, #tpu.memory_space<vmem>>, vector<16xf32>,
        tpu.vector_store %arg7[%swap3A_269, %swap3A_270], %gather3A {strides = array<i32>} : memref<2x4096xf32, #tpu.memory_space<vmem>>, vector<16xf32>,
        %add3A_272 = arith.constant 16 : i32
        %add3A_273 = arith.addi %mul3A_263, %add3A_272 : i32
        %get3A_274 = arith.constant 1 : i32
        %get3A_275 = arith.index_cast %get3A_274 : i32 to index
        %get3A_276 = arith.index_cast %add3A_273 : i32 to index
        %get3A_277 = tpu.vector_load %arg6[%get3A_275, %get3A_276] {strides = array<i32>} : memref<2x4096xi32, #tpu.memory_space<vmem>>, vector<16xi32>,
        %gather3A_278 = tpu.vector_load_idx %arg5[%get3A_277] : memref<100000xf32, #tpu.memory_space<vmem>>[vector<16xi32>], vector<16xf32>,
        %swap3A_279 = arith.constant 1 : i32
        %swap3A_280 = arith.index_cast %swap3A_279 : i32 to index
        %swap3A_281 = arith.index_cast %add3A_273 : i32 to index
        %swap3A_282 = tpu.vector_load %arg7[%swap3A_280, %swap3A_281] {strides = array<i32>} : memref<2x4096xf32, #tpu.memory_space<vmem>>, vector<16xf32>,
        tpu.vector_store %arg7[%swap3A_280, %swap3A_281], %gather3A_278 {strides = array<i32>} : memref<2x4096xf32, #tpu.memory_space<vmem>>, vector<16xf32>,
        %add3A_283 = arith.constant 32 : i32
        %add3A_284 = arith.addi %mul3A_263, %add3A_283 : i32
        %get3A_285 = arith.constant 1 : i32
        %get3A_286 = arith.index_cast %get3A_285 : i32 to index
        %get3A_287 = arith.index_cast %add3A_284 : i32 to index
        %get3A_288 = tpu.vector_load %arg6[%get3A_286, %get3A_287] {strides = array<i32>} : memref<2x4096xi32, #tpu.memory_space<vmem>>, vector<16xi32>,
        %gather3A_289 = tpu.vector_load_idx %arg5[%get3A_288] : memref<100000xf32, #tpu.memory_space<vmem>>[vector<16xi32>], vector<16xf32>,
        %swap3A_290 = arith.constant 1 : i32
        %swap3A_291 = arith.index_cast %swap3A_290 : i32 to index
        %swap3A_292 = arith.index_cast %add3A_284 : i32 to index
        %swap3A_293 = tpu.vector_load %arg7[%swap3A_291, %swap3A_292] {strides = array<i32>} : memref<2x4096xf32, #tpu.memory_space<vmem>>, vector<16xf32>,
        tpu.vector_store %arg7[%swap3A_291, %swap3A_292], %gather3A_289 {strides = array<i32>} : memref<2x4096xf32, #tpu.memory_space<vmem>>, vector<16xf32>,
        %add3A_294 = arith.constant 48 : i32
        %add3A_295 = arith.addi %mul3A_263, %add3A_294 : i32
        %get3A_296 = arith.constant 1 : i32
        %get3A_297 = arith.index_cast %get3A_296 : i32 to index
        %get3A_298 = arith.index_cast %add3A_295 : i32 to index
        %get3A_299 = tpu.vector_load %arg6[%get3A_297, %get3A_298] {strides = array<i32>} : memref<2x4096xi32, #tpu.memory_space<vmem>>, vector<16xi32>,
        %gather3A_300 = tpu.vector_load_idx %arg5[%get3A_299] : memref<100000xf32, #tpu.memory_space<vmem>>[vector<16xi32>], vector<16xf32>,
        %swap3A_301 = arith.constant 1 : i32
        %swap3A_302 = arith.index_cast %swap3A_301 : i32 to index
        %swap3A_303 = arith.index_cast %add3A_295 : i32 to index
        %swap3A_304 = tpu.vector_load %arg7[%swap3A_302, %swap3A_303] {strides = array<i32>} : memref<2x4096xf32, #tpu.memory_space<vmem>>, vector<16xf32>,
        tpu.vector_store %arg7[%swap3A_302, %swap3A_303], %gather3A_300 {strides = array<i32>} : memref<2x4096xf32, #tpu.memory_space<vmem>>, vector<16xf32>,
        %add3A_305 = arith.constant 64 : i32
        %add3A_306 = arith.addi %mul3A_263, %add3A_305 : i32
        %get3A_307 = arith.constant 1 : i32
        %get3A_308 = arith.index_cast %get3A_307 : i32 to index
        %get3A_309 = arith.index_cast %add3A_306 : i32 to index
        %get3A_310 = tpu.vector_load %arg6[%get3A_308, %get3A_309] {strides = array<i32>} : memref<2x4096xi32, #tpu.memory_space<vmem>>, vector<16xi32>,
        %gather3A_311 = tpu.vector_load_idx %arg5[%get3A_310] : memref<100000xf32, #tpu.memory_space<vmem>>[vector<16xi32>], vector<16xf32>,
        %swap3A_312 = arith.constant 1 : i32
        %swap3A_313 = arith.index_cast %swap3A_312 : i32 to index
        %swap3A_314 = arith.index_cast %add3A_306 : i32 to index
        %swap3A_315 = tpu.vector_load %arg7[%swap3A_313, %swap3A_314] {strides = array<i32>} : memref<2x4096xf32, #tpu.memory_space<vmem>>, vector<16xf32>,
        tpu.vector_store %arg7[%swap3A_313, %swap3A_314], %gather3A_311 {strides = array<i32>} : memref<2x4096xf32, #tpu.memory_space<vmem>>, vector<16xf32>,
        %add3A_316 = arith.constant 80 : i32
        %add3A_317 = arith.addi %mul3A_263, %add3A_316 : i32
        %get3A_318 = arith.constant 1 : i32
        %get3A_319 = arith.index_cast %get3A_318 : i32 to index
        %get3A_320 = arith.index_cast %add3A_317 : i32 to index
        %get3A_321 = tpu.vector_load %arg6[%get3A_319, %get3A_320] {strides = array<i32>} : memref<2x4096xi32, #tpu.memory_space<vmem>>, vector<16xi32>,
        %gather3A_322 = tpu.vector_load_idx %arg5[%get3A_321] : memref<100000xf32, #tpu.memory_space<vmem>>[vector<16xi32>], vector<16xf32>,
        %swap3A_323 = arith.constant 1 : i32
        %swap3A_324 = arith.index_cast %swap3A_323 : i32 to index
        %swap3A_325 = arith.index_cast %add3A_317 : i32 to index
        %swap3A_326 = tpu.vector_load %arg7[%swap3A_324, %swap3A_325] {strides = array<i32>} : memref<2x4096xf32, #tpu.memory_space<vmem>>, vector<16xf32>,
        tpu.vector_store %arg7[%swap3A_324, %swap3A_325], %gather3A_322 {strides = array<i32>} : memref<2x4096xf32, #tpu.memory_space<vmem>>, vector<16xf32>,
        %add3A_327 = arith.constant 96 : i32
        %add3A_328 = arith.addi %mul3A_263, %add3A_327 : i32
        %get3A_329 = arith.constant 1 : i32
        %get3A_330 = arith.index_cast %get3A_329 : i32 to index
        %get3A_331 = arith.index_cast %add3A_328 : i32 to index
        %get3A_332 = tpu.vector_load %arg6[%get3A_330, %get3A_331] {strides = array<i32>} : memref<2x4096xi32, #tpu.memory_space<vmem>>, vector<16xi32>,
        %gather3A_333 = tpu.vector_load_idx %arg5[%get3A_332] : memref<100000xf32, #tpu.memory_space<vmem>>[vector<16xi32>], vector<16xf32>,
        %swap3A_334 = arith.constant 1 : i32
        %swap3A_335 = arith.index_cast %swap3A_334 : i32 to index
        %swap3A_336 = arith.index_cast %add3A_328 : i32 to index
        %swap3A_337 = tpu.vector_load %arg7[%swap3A_335, %swap3A_336] {strides = array<i32>} : memref<2x4096xf32, #tpu.memory_space<vmem>>, vector<16xf32>,
        tpu.vector_store %arg7[%swap3A_335, %swap3A_336], %gather3A_333 {strides = array<i32>} : memref<2x4096xf32, #tpu.memory_space<vmem>>, vector<16xf32>,
        %add3A_338 = arith.constant 112 : i32
        %add3A_339 = arith.addi %mul3A_263, %add3A_338 : i32
        %get3A_340 = arith.constant 1 : i32
        %get3A_341 = arith.index_cast %get3A_340 : i32 to index
        %get3A_342 = arith.index_cast %add3A_339 : i32 to index
        %get3A_343 = tpu.vector_load %arg6[%get3A_341, %get3A_342] {strides = array<i32>} : memref<2x4096xi32, #tpu.memory_space<vmem>>, vector<16xi32>,
        %gather3A_344 = tpu.vector_load_idx %arg5[%get3A_343] : memref<100000xf32, #tpu.memory_space<vmem>>[vector<16xi32>], vector<16xf32>,
        %swap3A_345 = arith.constant 1 : i32
        %swap3A_346 = arith.index_cast %swap3A_345 : i32 to index
        %swap3A_347 = arith.index_cast %add3A_339 : i32 to index
        %swap3A_348 = tpu.vector_load %arg7[%swap3A_346, %swap3A_347] {strides = array<i32>} : memref<2x4096xf32, #tpu.memory_space<vmem>>, vector<16xf32>,
        tpu.vector_store %arg7[%swap3A_346, %swap3A_347], %gather3A_344 {strides = array<i32>} : memref<2x4096xf32, #tpu.memory_space<vmem>>, vector<16xf32>,
        %add3A_349 = arith.constant 128 : i32
        %add3A_350 = arith.addi %mul3A_263, %add3A_349 : i32
        %get3A_351 = arith.constant 1 : i32
        %get3A_352 = arith.index_cast %get3A_351 : i32 to index
        %get3A_353 = arith.index_cast %add3A_350 : i32 to index
        %get3A_354 = tpu.vector_load %arg6[%get3A_352, %get3A_353] {strides = array<i32>} : memref<2x4096xi32, #tpu.memory_space<vmem>>, vector<16xi32>,
        %gather3A_355 = tpu.vector_load_idx %arg5[%get3A_354] : memref<100000xf32, #tpu.memory_space<vmem>>[vector<16xi32>], vector<16xf32>,
        %swap3A_356 = arith.constant 1 : i32
        %swap3A_357 = arith.index_cast %swap3A_356 : i32 to index
        %swap3A_358 = arith.index_cast %add3A_350 : i32 to index
        %swap3A_359 = tpu.vector_load %arg7[%swap3A_357, %swap3A_358] {strides = array<i32>} : memref<2x4096xf32, #tpu.memory_space<vmem>>, vector<16xf32>,
        tpu.vector_store %arg7[%swap3A_357, %swap3A_358], %gather3A_355 {strides = array<i32>} : memref<2x4096xf32, #tpu.memory_space<vmem>>, vector<16xf32>,
        %add3A_360 = arith.constant 144 : i32
        %add3A_361 = arith.addi %mul3A_263, %add3A_360 : i32
        %get3A_362 = arith.constant 1 : i32
        %get3A_363 = arith.index_cast %get3A_362 : i32 to index
        %get3A_364 = arith.index_cast %add3A_361 : i32 to index
        %get3A_365 = tpu.vector_load %arg6[%get3A_363, %get3A_364] {strides = array<i32>} : memref<2x4096xi32, #tpu.memory_space<vmem>>, vector<16xi32>,
        %gather3A_366 = tpu.vector_load_idx %arg5[%get3A_365] : memref<100000xf32, #tpu.memory_space<vmem>>[vector<16xi32>], vector<16xf32>,
        %swap3A_367 = arith.constant 1 : i32
        %swap3A_368 = arith.index_cast %swap3A_367 : i32 to index
        %swap3A_369 = arith.index_cast %add3A_361 : i32 to index
        %swap3A_370 = tpu.vector_load %arg7[%swap3A_368, %swap3A_369] {strides = array<i32>} : memref<2x4096xf32, #tpu.memory_space<vmem>>, vector<16xf32>,
        tpu.vector_store %arg7[%swap3A_368, %swap3A_369], %gather3A_366 {strides = array<i32>} : memref<2x4096xf32, #tpu.memory_space<vmem>>, vector<16xf32>,
        %add3A_371 = arith.constant 160 : i32
        %add3A_372 = arith.addi %mul3A_263, %add3A_371 : i32
        %get3A_373 = arith.constant 1 : i32
        %get3A_374 = arith.index_cast %get3A_373 : i32 to index
        %get3A_375 = arith.index_cast %add3A_372 : i32 to index
        %get3A_376 = tpu.vector_load %arg6[%get3A_374, %get3A_375] {strides = array<i32>} : memref<2x4096xi32, #tpu.memory_space<vmem>>, vector<16xi32>,
        %gather3A_377 = tpu.vector_load_idx %arg5[%get3A_376] : memref<100000xf32, #tpu.memory_space<vmem>>[vector<16xi32>], vector<16xf32>,
        %swap3A_378 = arith.constant 1 : i32
        %swap3A_379 = arith.index_cast %swap3A_378 : i32 to index
        %swap3A_380 = arith.index_cast %add3A_372 : i32 to index
        %swap3A_381 = tpu.vector_load %arg7[%swap3A_379, %swap3A_380] {strides = array<i32>} : memref<2x4096xf32, #tpu.memory_space<vmem>>, vector<16xf32>,
        tpu.vector_store %arg7[%swap3A_379, %swap3A_380], %gather3A_377 {strides = array<i32>} : memref<2x4096xf32, #tpu.memory_space<vmem>>, vector<16xf32>,
        %add3A_382 = arith.constant 176 : i32
        %add3A_383 = arith.addi %mul3A_263, %add3A_382 : i32
        %get3A_384 = arith.constant 1 : i32
        %get3A_385 = arith.index_cast %get3A_384 : i32 to index
        %get3A_386 = arith.index_cast %add3A_383 : i32 to index
        %get3A_387 = tpu.vector_load %arg6[%get3A_385, %get3A_386] {strides = array<i32>} : memref<2x4096xi32, #tpu.memory_space<vmem>>, vector<16xi32>,
        %gather3A_388 = tpu.vector_load_idx %arg5[%get3A_387] : memref<100000xf32, #tpu.memory_space<vmem>>[vector<16xi32>], vector<16xf32>,
        %swap3A_389 = arith.constant 1 : i32
        %swap3A_390 = arith.index_cast %swap3A_389 : i32 to index
        %swap3A_391 = arith.index_cast %add3A_383 : i32 to index
        %swap3A_392 = tpu.vector_load %arg7[%swap3A_390, %swap3A_391] {strides = array<i32>} : memref<2x4096xf32, #tpu.memory_space<vmem>>, vector<16xf32>,
        tpu.vector_store %arg7[%swap3A_390, %swap3A_391], %gather3A_388 {strides = array<i32>} : memref<2x4096xf32, #tpu.memory_space<vmem>>, vector<16xf32>,
        %add3A_393 = arith.constant 192 : i32
        %add3A_394 = arith.addi %mul3A_263, %add3A_393 : i32
        %get3A_395 = arith.constant 1 : i32
        %get3A_396 = arith.index_cast %get3A_395 : i32 to index
        %get3A_397 = arith.index_cast %add3A_394 : i32 to index
        %get3A_398 = tpu.vector_load %arg6[%get3A_396, %get3A_397] {strides = array<i32>} : memref<2x4096xi32, #tpu.memory_space<vmem>>, vector<16xi32>,
        %gather3A_399 = tpu.vector_load_idx %arg5[%get3A_398] : memref<100000xf32, #tpu.memory_space<vmem>>[vector<16xi32>], vector<16xf32>,
        %swap3A_400 = arith.constant 1 : i32
        %swap3A_401 = arith.index_cast %swap3A_400 : i32 to index
        %swap3A_402 = arith.index_cast %add3A_394 : i32 to index
        %swap3A_403 = tpu.vector_load %arg7[%swap3A_401, %swap3A_402] {strides = array<i32>} : memref<2x4096xf32, #tpu.memory_space<vmem>>, vector<16xf32>,
        tpu.vector_store %arg7[%swap3A_401, %swap3A_402], %gather3A_399 {strides = array<i32>} : memref<2x4096xf32, #tpu.memory_space<vmem>>, vector<16xf32>,
        %add3A_404 = arith.constant 208 : i32
        %add3A_405 = arith.addi %mul3A_263, %add3A_404 : i32
        %get3A_406 = arith.constant 1 : i32
        %get3A_407 = arith.index_cast %get3A_406 : i32 to index
        %get3A_408 = arith.index_cast %add3A_405 : i32 to index
        %get3A_409 = tpu.vector_load %arg6[%get3A_407, %get3A_408] {strides = array<i32>} : memref<2x4096xi32, #tpu.memory_space<vmem>>, vector<16xi32>,
        %gather3A_410 = tpu.vector_load_idx %arg5[%get3A_409] : memref<100000xf32, #tpu.memory_space<vmem>>[vector<16xi32>], vector<16xf32>,
        %swap3A_411 = arith.constant 1 : i32
        %swap3A_412 = arith.index_cast %swap3A_411 : i32 to index
        %swap3A_413 = arith.index_cast %add3A_405 : i32 to index
        %swap3A_414 = tpu.vector_load %arg7[%swap3A_412, %swap3A_413] {strides = array<i32>} : memref<2x4096xf32, #tpu.memory_space<vmem>>, vector<16xf32>,
        tpu.vector_store %arg7[%swap3A_412, %swap3A_413], %gather3A_410 {strides = array<i32>} : memref<2x4096xf32, #tpu.memory_space<vmem>>, vector<16xf32>,
        %add3A_415 = arith.constant 224 : i32
        %add3A_416 = arith.addi %mul3A_263, %add3A_415 : i32
        %get3A_417 = arith.constant 1 : i32
        %get3A_418 = arith.index_cast %get3A_417 : i32 to index
        %get3A_419 = arith.index_cast %add3A_416 : i32 to index
        %get3A_420 = tpu.vector_load %arg6[%get3A_418, %get3A_419] {strides = array<i32>} : memref<2x4096xi32, #tpu.memory_space<vmem>>, vector<16xi32>,
        %gather3A_421 = tpu.vector_load_idx %arg5[%get3A_420] : memref<100000xf32, #tpu.memory_space<vmem>>[vector<16xi32>], vector<16xf32>,
        %swap3A_422 = arith.constant 1 : i32
        %swap3A_423 = arith.index_cast %swap3A_422 : i32 to index
        %swap3A_424 = arith.index_cast %add3A_416 : i32 to index
        %swap3A_425 = tpu.vector_load %arg7[%swap3A_423, %swap3A_424] {strides = array<i32>} : memref<2x4096xf32, #tpu.memory_space<vmem>>, vector<16xf32>,
        tpu.vector_store %arg7[%swap3A_423, %swap3A_424], %gather3A_421 {strides = array<i32>} : memref<2x4096xf32, #tpu.memory_space<vmem>>, vector<16xf32>,
        %add3A_426 = arith.constant 240 : i32
        %add3A_427 = arith.addi %mul3A_263, %add3A_426 : i32
        %get3A_428 = arith.constant 1 : i32
        %get3A_429 = arith.index_cast %get3A_428 : i32 to index
        %get3A_430 = arith.index_cast %add3A_427 : i32 to index
        %get3A_431 = tpu.vector_load %arg6[%get3A_429, %get3A_430] {strides = array<i32>} : memref<2x4096xi32, #tpu.memory_space<vmem>>, vector<16xi32>,
        %gather3A_432 = tpu.vector_load_idx %arg5[%get3A_431] : memref<100000xf32, #tpu.memory_space<vmem>>[vector<16xi32>], vector<16xf32>,
        %swap3A_433 = arith.constant 1 : i32
        %swap3A_434 = arith.index_cast %swap3A_433 : i32 to index
        %swap3A_435 = arith.index_cast %add3A_427 : i32 to index
        %swap3A_436 = tpu.vector_load %arg7[%swap3A_434, %swap3A_435] {strides = array<i32>} : memref<2x4096xf32, #tpu.memory_space<vmem>>, vector<16xf32>,
        tpu.vector_store %arg7[%swap3A_434, %swap3A_435], %gather3A_432 {strides = array<i32>} : memref<2x4096xf32, #tpu.memory_space<vmem>>, vector<16xf32>,
      }
      %scan3A_247 = arith.constant 16 : i32
      %dma_start3A_248 = arith.constant 1 : i32
      %dma_start3A_249 = arith.constant 0 : i32
      %dma_start3A_250 = tpu.memref_slice %arg7[%dma_start3A_248, %dma_start3A_249] : memref<2x4096xf32, #tpu.memory_space<vmem>> -> memref<1x4096xf32, #tpu.memory_space<vmem>>
      %dma_start3A_251 = tpu.memref_squeeze %dma_start3A_250 : memref<1x4096xf32, #tpu.memory_space<vmem>> -> memref<4096xf32, #tpu.memory_space<vmem>>
      %dma_start3A_252 = arith.constant 12288 : i32
      %dma_start3A_253 = tpu.memref_slice %arg4[%add3A_36, %dma_start3A_252] : memref<832x16384xf32, #tpu.memory_space<hbm>> -> memref<1x4096xf32, #tpu.memory_space<hbm>>
      %dma_start3A_254 = tpu.memref_squeeze %dma_start3A_253 : memref<1x4096xf32, #tpu.memory_space<hbm>> -> memref<4096xf32, #tpu.memory_space<hbm>>
      %dma_start3A_255 = arith.constant 12288 : i32
      %dma_start3A_256 = tpu.memref_slice %arg4[%add3A_36, %dma_start3A_255] : memref<832x16384xf32, #tpu.memory_space<hbm>> -> memref<1x4096xf32, #tpu.memory_space<hbm>>
      %dma_start3A_257 = tpu.memref_squeeze %dma_start3A_256 : memref<1x4096xf32, #tpu.memory_space<hbm>> -> memref<4096xf32, #tpu.memory_space<hbm>>
      %dma_start3A_258 = arith.constant 0 : i32
      %dma_start3A_259 = tpu.memref_slice %arg7[%dma_start3A_248, %dma_start3A_258] : memref<2x4096xf32, #tpu.memory_space<vmem>> -> memref<1x4096xf32, #tpu.memory_space<vmem>>
      %dma_start3A_260 = tpu.memref_squeeze %dma_start3A_259 : memref<1x4096xf32, #tpu.memory_space<vmem>> -> memref<4096xf32, #tpu.memory_space<vmem>>
      tpu.enqueue_dma source(%dma_start3A_260 : memref<4096xf32, #tpu.memory_space<vmem>>) target(%dma_start3A_257 : memref<4096xf32, #tpu.memory_space<hbm>>) target_semaphore(%arg9 : memref<!tpu.dma_semaphore, #tpu.memory_space<semaphore_mem>>)
    }
    %scan3A_5 = arith.constant 26 : i32
    %dma_wait3A = arith.constant 0 : i32
    %dma_wait3A_6 = arith.constant 0 : i32
    %dma_wait3A_7 = arith.constant 0 : i32
    %dma_wait3A_8 = tpu.memref_slice %arg7[%dma_wait3A, %dma_wait3A_7] : memref<2x4096xf32, #tpu.memory_space<vmem>> -> memref<1x4096xf32, #tpu.memory_space<vmem>>
    %dma_wait3A_9 = tpu.memref_squeeze %dma_wait3A_8 : memref<1x4096xf32, #tpu.memory_space<vmem>> -> memref<4096xf32, #tpu.memory_space<vmem>>
    %dma_wait3A_10 = arith.constant 0 : i32
    %dma_wait3A_11 = tpu.memref_slice %arg4[%dma_wait3A_6, %dma_wait3A_10] : memref<832x16384xf32, #tpu.memory_space<hbm>> -> memref<1x4096xf32, #tpu.memory_space<hbm>>
    %dma_wait3A_12 = tpu.memref_squeeze %dma_wait3A_11 : memref<1x4096xf32, #tpu.memory_space<hbm>> -> memref<4096xf32, #tpu.memory_space<hbm>>
    %dma_wait3A_13 = arith.constant 0 : i32
    %dma_wait3A_14 = tpu.memref_slice %arg4[%dma_wait3A_6, %dma_wait3A_13] : memref<832x16384xf32, #tpu.memory_space<hbm>> -> memref<1x4096xf32, #tpu.memory_space<hbm>>
    %dma_wait3A_15 = tpu.memref_squeeze %dma_wait3A_14 : memref<1x4096xf32, #tpu.memory_space<hbm>> -> memref<4096xf32, #tpu.memory_space<hbm>>
    %dma_wait3A_16 = arith.constant 0 : i32
    %dma_wait3A_17 = tpu.memref_slice %arg7[%dma_wait3A, %dma_wait3A_16] : memref<2x4096xf32, #tpu.memory_space<vmem>> -> memref<1x4096xf32, #tpu.memory_space<vmem>>
    %dma_wait3A_18 = tpu.memref_squeeze %dma_wait3A_17 : memref<1x4096xf32, #tpu.memory_space<vmem>> -> memref<4096xf32, #tpu.memory_space<vmem>>
    tpu.wait_dma2 semaphore(%arg9 : memref<!tpu.dma_semaphore, #tpu.memory_space<semaphore_mem>>) src(%dma_wait3A_18 : memref<4096xf32, #tpu.memory_space<vmem>>) dst(%dma_wait3A_15 : memref<4096xf32, #tpu.memory_space<hbm>>)
    %dma_wait3A_19 = arith.constant 1 : i32
    %dma_wait3A_20 = arith.constant 0 : i32
    %dma_wait3A_21 = arith.constant 0 : i32
    %dma_wait3A_22 = tpu.memref_slice %arg7[%dma_wait3A_19, %dma_wait3A_21] : memref<2x4096xf32, #tpu.memory_space<vmem>> -> memref<1x4096xf32, #tpu.memory_space<vmem>>
    %dma_wait3A_23 = tpu.memref_squeeze %dma_wait3A_22 : memref<1x4096xf32, #tpu.memory_space<vmem>> -> memref<4096xf32, #tpu.memory_space<vmem>>
    %dma_wait3A_24 = arith.constant 0 : i32
    %dma_wait3A_25 = tpu.memref_slice %arg4[%dma_wait3A_20, %dma_wait3A_24] : memref<832x16384xf32, #tpu.memory_space<hbm>> -> memref<1x4096xf32, #tpu.memory_space<hbm>>
    %dma_wait3A_26 = tpu.memref_squeeze %dma_wait3A_25 : memref<1x4096xf32, #tpu.memory_space<hbm>> -> memref<4096xf32, #tpu.memory_space<hbm>>
    %dma_wait3A_27 = arith.constant 0 : i32
    %dma_wait3A_28 = tpu.memref_slice %arg4[%dma_wait3A_20, %dma_wait3A_27] : memref<832x16384xf32, #tpu.memory_space<hbm>> -> memref<1x4096xf32, #tpu.memory_space<hbm>>
    %dma_wait3A_29 = tpu.memref_squeeze %dma_wait3A_28 : memref<1x4096xf32, #tpu.memory_space<hbm>> -> memref<4096xf32, #tpu.memory_space<hbm>>
    %dma_wait3A_30 = arith.constant 0 : i32
    %dma_wait3A_31 = tpu.memref_slice %arg7[%dma_wait3A_19, %dma_wait3A_30] : memref<2x4096xf32, #tpu.memory_space<vmem>> -> memref<1x4096xf32, #tpu.memory_space<vmem>>
    %dma_wait3A_32 = tpu.memref_squeeze %dma_wait3A_31 : memref<1x4096xf32, #tpu.memory_space<vmem>> -> memref<4096xf32, #tpu.memory_space<vmem>>
    tpu.wait_dma2 semaphore(%arg9 : memref<!tpu.dma_semaphore, #tpu.memory_space<semaphore_mem>>) src(%dma_wait3A_32 : memref<4096xf32, #tpu.memory_space<vmem>>) dst(%dma_wait3A_29 : memref<4096xf32, #tpu.memory_space<hbm>>)
    return
  }
}

</mosaic_0001>

<sc_bundles>
// kernel: kernel.3.cloned.1.call-start
scs
__scs_entry_jumppad:
0x0: {  	(pc) =	sbr.rel $0x88, $3  }
0x1: {  	(tag) =	ssettag $0x0;
	lr =	simm.s32 $0x1  }
0x2: {  	[smem:$0x3F9F] =	sst lr;
	_ =	strace $0xD0000000  }
0x3: {  	_ = 	snop  }
0x4: {  	_ = 	snop  }
0x5: {  	_ = 	snop  }
0x6: {  	_ = 	snop  }
0x7: {  	_ = 	snop  }
__scs_overlays_trampoline_lowered:
0x8: {  	[smem:$0x3FAE] =	sst s0  }
0x9: {  	[smem:$0x3FAF] =	sst s1  }
0xa: {  	[smem:$0x3FB0] =	sst s2  }
0xb: {  	[smem:$0x3FB1] =	sst s3  }
0xc: {  	[smem:$0x3FB2] =	sst s4  }
0xd: {  	[smem:$0x3FB3] =	sst s5  }
0xe: {  	[smem:$0x3FB4] =	sst s6  }
0xf: {  	[smem:$0x3FB5] =	sst s7  }
0x10: {  	[smem:$0x3FB6] =	sst s8  }
0x11: {  	[smem:$0x3FB7] =	sst s9;
	s0 =	simm.s32 @!p0 $0x0  }
0x12: {  	s1 =	sld [smem:$0x3F9D];
	s0 =	simm.s32 @p0 $0x1  }
0x13: {  	[smem:$0x3FB8] =	sst s0;
	s0 =	simm.s32 @!p1 $0x0  }
0x14: {  	s2 =	sld [smem:$0x3F9C];
	s0 =	simm.s32 @p1 $0x1  }
0x15: {  	[smem:$0x3FB9] =	sst s0;
	s0 =	simm.s32 @!p2 $0x0  }
0x16: {  	s3 =	sld [smem:$0x3FDB];
	s0 =	simm.s32 @p2 $0x1  }
0x17: {  	s4 =	simm.s32 $0x1BF5;
	[smem:$0x3FBB] =	sst s0  }
0x18: {  	s0 =	sld [smem:$0x3F9E];
	_ =	swait.ge [sflag:s4], $0x0  }
0x19: {  	s7 =	sld [smem:$0x3F9F]  }
0x1a: {  	s8 =	sadd.s32 $0xFFFFE003, lr  }
0x1b: {  	s9 =	sadd.s32 $0xFFFFFEF7, lr;
	s5 =	simm.s32 $0xFFFFFFFF;
	p2 =	slt.u32 s8, $0xFFFFF086  }
0x1c: {  	p1 =	slt.u32 s9, $0xF7A;
	s5 =	simm.s32 @!p2 $0x0  }
0x1d: {  	s5 =	simm.s32 @p1 $0x1;
	p0 =	seq.s32 s7, s2  }
0x1e: {  	s7 =	smul.u32 @!p0 $0xF7A, s2;
	p2 =	seq.s32 @!p0 s5, $0x0  }
0x1f: {  	s9 =	smul.u32 $0xF7A, s1;
	s8 =	simm.s32 @!p0 $0x1BF5;
	p2 =	por !p2, p0  }
0x20: {  	[sflag:s8] =	ssyncset.s32 @!p0 $0xFFFFF086;
	s6 =	sadd.s32 @!p0 s3, s7;
	s7 =	simm.s32 @!p0 $0x108  }
0x21: {  	s3 =	sadd.s32 s3, s9;
	s6 =	sadd.s32 @!p0 $0x88, s6;
	s7 =	simm.s32 @p2 $0x1082  }
0x22: {  	[simem:s7], [sflag:s8] =	dma.local @!p0 [hbm:s6], $0xF7A  }
0x23: {  	s9 =	sor.u32 $0xD0000000, s2;
	s6 =	simm.s32 $0x108;
	_ =	swait.ge @!p0 [sflag:s8], $0x0  }
0x24: {  	s3 =	sadd.s32 $0x88, s3;
	s6 =	simm.s32 @!p1 $0x1082;
	[sflag:s4] =	ssyncset.s32 $0xFFFFF086  }
0x25: {  	[simem:s6], [sflag:s4] =	dma.local [hbm:s3], $0xF7A  }
0x26: {  	[smem:$0x3F9F] =	sst s1;
	(tag) =	ssettag s2;
	_ =	strace s9  }
0x27: {  	s1 =	sld [smem:$0x3FAF]  }
0x28: {  	s2 =	sld [smem:$0x3FB0]  }
0x29: {  	s4 =	sld [smem:$0x3FB2]  }
0x2a: {  	p0 =	seq.s32 s5, $0x0;
	s5 =	sld [smem:$0x3FB3]  }
0x2b: {  	s6 =	sld [smem:$0x3FB4]  }
0x2c: {  	s7 =	sld [smem:$0x3FB5]  }
0x2d: {  	s3 =	simm.s32 $0x108;
	s8 =	sld [smem:$0x3FB6]  }
0x2e: {  	s3 =	simm.s32 @!p0 $0x1082;
	s9 =	sld [smem:$0x3FB7]  }
0x2f: {  	lr =	sadd.s32 s0, s3;
	s0 =	sld [smem:$0x3FAE]  }
0x30: {  	s3 =	sld [smem:$0x3FB1]  }
0x31: {  	[smem:$0x3FBA] =	sst s10  }
0x32: {  	s10 =	sld [smem:$0x3FB8];
	_ =	sdelay $0x3  }
0x33: {  	p0 =	seq.s32 s10, $0x1;
	s10 =	sld [smem:$0x3FBA];
	_ =	sdelay $0x3  }
0x34: {  	[smem:$0x3FBA] =	sst s10  }
0x35: {  	s10 =	sld [smem:$0x3FB9];
	_ =	sdelay $0x3  }
0x36: {  	p1 =	seq.s32 s10, $0x1;
	s10 =	sld [smem:$0x3FBA];
	_ =	sdelay $0x3  }
0x37: {  	[smem:$0x3FBA] =	sst s10  }
0x38: {  	s10 =	sld [smem:$0x3FBB]  }
0x39: {  	_ = 	snop;
	(pc) =	sbr.ind lr, $3  }
0x3a: {  	_ = 	snop  }
0x3b: {  	_ = 	snop  }
0x3c: {  	p2 =	seq.s32 s10, $0x1;
	s10 =	sld [smem:$0x3FBA]  }
0x3d: {  	_ =	shalt  }
0x3e: {  	_ =	shalt  }
0x3f: {  	_ =	shalt  }
0x40: {  	_ =	shalt  }
0x41: {  	_ =	shalt  }
0x42: {  	_ =	shalt  }
0x43: {  	_ =	shalt  }
0x44: {  	_ =	shalt  }
0x45: {  	_ =	shalt  }
0x46: {  	_ =	shalt  }
0x47: {  	_ =	shalt  }
0x48: {  	_ =	shalt  }
0x49: {  	_ =	shalt  }
0x4a: {  	_ =	shalt  }
0x4b: {  	_ =	shalt  }
0x4c: {  	_ =	shalt  }
0x4d: {  	_ =	shalt  }
0x4e: {  	_ =	shalt  }
0x4f: {  	_ =	shalt  }
0x50: {  	_ =	shalt  }
0x51: {  	_ =	shalt  }
0x52: {  	_ =	shalt  }
0x53: {  	_ =	shalt  }
0x54: {  	_ =	shalt  }
0x55: {  	_ =	shalt  }
0x56: {  	_ =	shalt  }
0x57: {  	_ =	shalt  }
0x58: {  	_ =	shalt  }
0x59: {  	_ =	shalt  }
0x5a: {  	_ =	shalt  }
0x5b: {  	_ =	shalt  }
0x5c: {  	_ =	shalt  }
0x5d: {  	_ =	shalt  }
0x5e: {  	_ =	shalt  }
0x5f: {  	_ =	shalt  }
0x60: {  	_ =	shalt  }
0x61: {  	_ =	shalt  }
0x62: {  	_ =	shalt  }
0x63: {  	_ =	shalt  }
0x64: {  	_ =	shalt  }
0x65: {  	_ =	shalt  }
0x66: {  	_ =	shalt  }
0x67: {  	_ =	shalt  }
0x68: {  	_ =	shalt  }
0x69: {  	_ =	shalt  }
0x6a: {  	_ =	shalt  }
0x6b: {  	_ =	shalt  }
0x6c: {  	_ =	shalt  }
0x6d: {  	_ =	shalt  }
0x6e: {  	_ =	shalt  }
0x6f: {  	_ =	shalt  }
0x70: {  	_ =	shalt  }
0x71: {  	_ =	shalt  }
0x72: {  	_ =	shalt  }
0x73: {  	_ =	shalt  }
0x74: {  	_ =	shalt  }
0x75: {  	_ =	shalt  }
0x76: {  	_ =	shalt  }
0x77: {  	_ =	shalt  }
0x78: {  	_ =	shalt  }
0x79: {  	_ =	shalt  }
0x7a: {  	_ =	shalt  }
0x7b: {  	_ =	shalt  }
0x7c: {  	_ =	shalt  }
0x7d: {  	_ =	shalt  }
0x7e: {  	_ =	shalt  }
0x7f: {  	_ =	shalt  }
0x80: {  	_ =	shalt  }
0x81: {  	_ =	shalt  }
0x82: {  	_ =	shalt  }
0x83: {  	_ =	shalt  }
0x84: {  	_ =	shalt  }
0x85: {  	_ =	shalt  }
0x86: {  	_ =	shalt  }
0x87: {  	_ =	shalt  }
.Lfunc_end0:
.L_simem_size_0:
called_computation_lowered:
.L_overlay_start_0:
0x88: {  	s2 =	sld [smem:$0x3FD9]  }
0x89: {  	s3 =	sld [smem:$0x3FFE];
	_ =	sdelay $0x1  }
0x8a: {  	s1 =	srdreg.scid  }
0x8b: {  	s0 =	sand.u32 $0x1, s1  }
0x8c: {  	s18 =	sshll.u32 s0, $0xA;
	s2 =	sadd.s32 s3, s2  }
0x8d: {  	s2 =	sadd.s32 s2, s18  }
0x8e: {  	[smem:$0x3FC6] =	sst s2  }
0x8f: {  	_ = 	snop  }
0x90: {  	s2 =	sld [smem:$0x3FC9]  }
0x91: {  	s19 =	sld [smem:$0x3FC8]  }
0x92: {  	s4 =	sld [smem:$0x3FD0];
	(tm) =	ssettm $0x1  }
0x93: {  	s5 =	sld [smem:$0x3FFB];
	_ =	sdelay $0x3  }
0x94: {  	_ =	strace s5  }
0x95: {  	s5 =	sld [smem:$0x3FFC];
	_ =	sdelay $0x3  }
0x96: {  	_ =	strace s5  }
0x97: {  	s5 =	sld [smem:$0x3FFD];
	_ =	sdelay $0x3  }
0x98: {  	_ =	strace s5  }
0x99: {  	_ =	strace $0x8FFFFFFF  }
0x9a: {  	s20 =	sld [smem:$0x3FDB];
	_ =	sdelay $0x1  }
0x9b: {  	s6 =	simm.s32 $_scs_section_size  }
0x9c: {  	s7 =	simm.s32 $_size__tile_overlayer_lowered;
	s8 =	simm.s32 $_tile_overlayer_lowered  }
0x9d: {  	s23 =	simm.s32 $0x1BFF;
	s22 =	sshll.u32 s8, $0x1;
	s5 =	sadd.s32 s6, s20  }
0x9e: {  	s9 =	simm.s32 $0x0;
	s21 =	sshll.u32 s7, $0x1;
	s7 =	sadd.s32 s22, s5  }
0x9f: {  	[timem:s9], [sflag:s23] =	dma.local [hbm:s7], s21  }
0xa0: {  	_ =	swait.ge [sflag:s23], s21  }
0xa1: {  	s6 =	ssub.s32 $0x0, s21;
	[sflag:s23] =	ssyncset.done $0x0  }
0xa2: {  	[sflag:s23] =	ssyncadd.s32 s6;
	_ =	sdelay $0x1  }
0xa3: {  	s24 =	simm.s32 $0x1B8B  }
0xa4: {  	_ =	swait.ge [sflag:s24], $0x1  }
0xa5: {  	[sflag:s24] =	ssyncset.done $0x0  }
0xa6: {  	s25 =	simm.s32 $0x1B8E;
	[sflag:s24] =	ssyncadd.s32 $0xFFFFFFFF  }
0xa7: {  	s26 =	simm.s32 $execute0_lowered;
	[smem:$0x3FD2] =	sst s25  }
0xa8: {  	s6 =	sshll.u32 s26, $0x1;
	_ =	strace $0x80000046;
	[dreg:$0x1] =	wrdreg $0xFFFFFFFF  }
0xa9: {  	s28 =	simm.s32 $_size_execute0_lowered;
	s5 =	sadd.s32 s5, s6;
	[dreg:$0x0] =	wrdreg $0x0  }
0xaa: {  	s6 =	sshll.u32 s28, $0x1;
	[dreg:$0x2] =	wrdreg s5  }
0xab: {  	[dreg:$0x3] =	wrdreg s6  }
0xac: {  	[dreg:$0x4] =	wrdreg $0xC0  }
0xad: {  	_ =	task [dreg:s9], $0x5FFFF  }
0xae: {  	[dreg:$0x1] =	wrdreg $0xFFFFFFFF  }
0xaf: {  	[dreg:$0x0] =	wrdreg $0x60  }
0xb0: {  	[dreg:$0x2] =	wrdreg s19  }
0xb1: {  	[dreg:$0x3] =	wrdreg s2  }
0xb2: {  	[dreg:$0x4] =	wrdreg s4  }
0xb3: {  	[dreg:$0x5] =	wrdreg $0x9  }
0xb4: {  	_ =	task.clear_ibuf [dreg:s9], $0x6FFFF;
	_ =	strace $0x90000046  }
0xb5: {  	s29 =	simm.s32 $0x9;
	_ =	strace $0x80000048  }
0xb6: {  	_ =	swait.ge [sflag:s29], $0x1  }
0xb7: {  	[sflag:s29] =	ssyncadd.s32 $0xFFFFFFFF  }
0xb8: {  	_ =	strace $0x90000048  }
0xb9: {  	_ =	sfence  }
0xba: {  	s30 =	sld [smem:$0x0];
	_ =	sdelay $0x2  }
0xbb: {  	s31 =	sshll.u32 s1, $0xD;
	s1 =	sshrl.u32 s1, $0x2  }
0xbc: {  	s3 =	sand.u32 $0x4000, s31;
	s1 =	sadd.s32 s1, s30  }
0xbd: {  	s0 =	sor.u32 s3, s0;
	s1 =	sshll.u32 s1, $0x11  }
0xbe: {  	s0 =	sor.u32 s1, s0  }
0xbf: {  	s0 =	sadd.s32 $0x8F2B, s0  }
0xc0: {  	[sflag:s0] =	ssyncadd.remote.s32 $0x1  }
0xc1: {  	_ =	sfence.sel $0xFFFF  }
0xc2: {  	[dreg:$0x0] =	wrdreg $0xFFFFFFFF;
	(pc) =	sbr.abs _section_cstart, $3  }
0xc3: {  	[dreg:$0x1] =	wrdreg $0xFFFFFFFF  }
0xc4: {  	_ =	task.clear_ibuf [dreg:s9], $0x2FFFF;
	_ =	strace $0x9FFFFFFF  }
0xc5: {  	(tm) =	ssettm $0x7FFFFFFF  }
tec
execute0_lowered:
.L_overlay_start_1:
0x0: {  	(tag) =	ssettag $0x1  }
0x1: {  	s1 =	rddreg [dreg:$0x0]  }
0x2: {  	s2 =	rddreg [dreg:$0x1]  }
0x3: {  	s3 =	rddreg [dreg:$0x2]  }
0x4: {  	s0 =	rddreg [dreg:$0x3];
	s4 =	simm.s32 $0x0  }
0x5: {  	s5 =	srdreg.scid;
	s16 =	simm.s32 $0x80;
	s17 =	simm.s32 $0x400  }
0x6: {  	s18 =	simm.s32 $0x3;
	s19 =	simm.s32 $0x1;
	s20 =	simm.s32 $0x2  }
0x7: {  	s21 =	simm.s32 $0x0;
	[smem:$0x7FF] =	sst s4;
	s6 =	sand.u32 $0x1, s5  }
0x8: {  	s5 =	stileid.u32;
	s11 =	sadd.s32 $0x1000, s3;
	s12 =	sadd.s32 $0x3000, s2  }
0x9: {  	s13 =	sadd.s32 $0x2000, s3;
	s14 =	sadd.s32 $0x3000, s3;
	_ =	strace $0x80000047  }
0xa: {  	s7 =	ssub.s32 $0x2, s6;
	s9 =	sshrl.u32 s5, $0x2;
	s10 =	sshll.u32 s5, $0x8  }
0xb: {  	s6 =	sshll.u32 s6, $0x7;
	s31 =	sshll.u32 s5, $0xF;
	s8 =	sshrl.u32 s7, $0x1  }
0xc: {  	s9 =	smul.u32 $0xC3800, s9;
	s10 =	sand.u32 $0x300, s10;
	s15 =	ssub.s32 s7, s8  }
0xd: {  	s6 =	sor.u32 s6, s10;
	s8 =	sadd.s32 $0x1000, s2;
	s10 =	sadd.s32 $0x2000, s2  }
0xe: {  	s7 =	sor.u32 s6, s9;
	s9 =	sand.u32 $0x60000, s31;
	s15 =	smax.u32 s15, $0x1  }
.LBB2_1:
0xf: {  	s22 =	simm.s32 $0x0  }
.LBB2_2:
0x10: {  	s23 =	sshll.u32 s22, $0xB;
	s24 =	sshll.u32 s22, $0x4  }
0x11: {  	s23 =	sand.u32 $0xC000, s23;
	s24 =	sand.u32 $0x70, s24  }
0x12: {  	s24 =	sor.u32 s24, s23  }
0x13: {  	s25 =	simm.s32 $0x18700;
	s23 =	sadd.s32 s2, s24  }
0x14: {  	s26 =	simm.s32 $0x80;
	s28 =	simm.s32 $0x18800;
	s29 =	sadd.s32 $0x0, s23  }
.LBB2_3:
0x15: {  	[tilespmem:s25], [sflag:$0x1] =	stream.linear.gather [hbm4b:s29+s4], $0x80, $0x38;
	[tilespmem:$0x1C700] =	vst v63  }
0x16: {  	s29 =	smov.u32 s26;
	s25 =	smov.u32 s28;
	p0 =	sne.s32 s26, $0xF80  }
.Ltmp0:
0x17: {  	s26 =	sadd.s32 $0x80, s26;
	(pc) =	sbr.rel @p0 .LBB2_3-.Ltmp0, $2  }
0x18: {  	_ =	sdelay $0x2  }
0x19: {  	s28 =	sadd.s32 $0x100, s28;
	s29 =	sadd.s32 s29, s23  }
0x1a: {  	s23 =	smul.u32 $0x30E000, s22  }
0x1b: {  	[tilespmem:s25], [sflag:$0x1] =	stream.linear.gather [hbm4b:s29+s4], $0x80, $0x38;
	[tilespmem:$0x1C700] =	vst v63  }
0x1c: {  	s23 =	sadd.s32 s7, s23  }
0x1d: {  	s23 =	sshrl.u32 s23, $0x3  }
0x1e: {  	s31 =	simm.s32 $0x0;
	s23 =	sadd.s32 s1, s23  }
0x1f: {  	[tilespmem:s31], [sflag:$0x3] =	stream.strided.gather [hbm4b:s23+s16], $0x18700, s17, s16, $0x38;
	[tilespmem:$0x1C700] =	vst v63  }
0x20: {  	_ =	swait.ge [sflag:s18], $0x18700  }
0x21: {  	[sflag:s18] =	ssyncset.done $0x0  }
0x22: {  	[sflag:s18] =	ssyncadd.s32 $0xFFFE7900  }
0x23: {  	s25 =	simm.s32 $0x18780;
	_ =	swait.ge [sflag:s19], $0x1000  }
0x24: {  	s26 =	simm.s32 $0x80;
	s23 =	sadd.s32 s24, s8;
	[sflag:s19] =	ssyncset.done $0x0  }
0x25: {  	s28 =	simm.s32 $0x18880;
	s29 =	sadd.s32 $0x0, s23;
	[sflag:s19] =	ssyncadd.s32 $0xFFFFF000  }
.LBB2_5:
0x26: {  	[tilespmem:s25], [sflag:$0x1] =	stream.linear.gather [hbm4b:s29+s4], $0x80, $0x38;
	[tilespmem:$0x1C700] =	vst v63  }
0x27: {  	s29 =	smov.u32 s26;
	s25 =	smov.u32 s28;
	p0 =	sne.s32 s26, $0xF80  }
.Ltmp1:
0x28: {  	s26 =	sadd.s32 $0x80, s26;
	(pc) =	sbr.rel @p0 .LBB2_5-.Ltmp1, $2  }
0x29: {  	_ =	sdelay $0x2  }
0x2a: {  	s28 =	sadd.s32 $0x100, s28;
	s29 =	sadd.s32 s29, s23  }
0x2b: {  	[tilespmem:s25], [sflag:$0x1] =	stream.linear.gather [hbm4b:s29+s4], $0x80, $0x38;
	[tilespmem:$0x1C700] =	vst v63  }
0x2c: {  	p0 =	seq.s32 s22, $0x0  }
0x2d: {  	s23 =	simm.s32 @!p0 $0x2  }
0x2e: {  	_ =	swait.ge @!p0 [sflag:s23], $0x1000  }
0x2f: {  	[sflag:s23] =	ssyncset.done @!p0 $0x0  }
0x30: {  	[sflag:s23] =	ssyncadd.s32 @!p0 $0xFFFFF000;
	s23 =	simm.s32 $0x0  }
0x31: {  	v0 =	vld [tilespmem:s23+$0x18700];
	_ =	sdelay $0x5  }
0x32: {  	v1 =	vld [tilespmem:s23+$0x18710];
	_ =	sdelay $0x1  }
0x33: {  	v0 =	vld.idx.msk [tilespmem:v0+s4+$0x0], $0xffff;
	_ =	sdelay $0x4  }
0x34: {  	[tilespmem:s23+$0x1A700] =	vst v0;
	v0 =	vld [tilespmem:s23+$0x18720]  }
0x35: {  	v1 =	vld.idx.msk [tilespmem:v1+s4+$0x0], $0xffff;
	_ =	sdelay $0x4  }
0x36: {  	[tilespmem:s23+$0x1A710] =	vst v1;
	v1 =	vld [tilespmem:s23+$0x18730];
	_ =	sdelay $0x1  }
0x37: {  	v0 =	vld.idx.msk [tilespmem:v0+s4+$0x0], $0xffff;
	_ =	sdelay $0x4  }
0x38: {  	[tilespmem:s23+$0x1A720] =	vst v0;
	v0 =	vld [tilespmem:s23+$0x18740]  }
0x39: {  	v1 =	vld.idx.msk [tilespmem:v1+s4+$0x0], $0xffff;
	_ =	sdelay $0x4  }
0x3a: {  	[tilespmem:s23+$0x1A730] =	vst v1;
	v1 =	vld [tilespmem:s23+$0x18750];
	_ =	sdelay $0x1  }
0x3b: {  	v0 =	vld.idx.msk [tilespmem:v0+s4+$0x0], $0xffff;
	_ =	sdelay $0x4  }
0x3c: {  	[tilespmem:s23+$0x1A740] =	vst v0;
	v0 =	vld [tilespmem:s23+$0x18760]  }
0x3d: {  	v1 =	vld.idx.msk [tilespmem:v1+s4+$0x0], $0xffff;
	_ =	sdelay $0x4  }
0x3e: {  	[tilespmem:s23+$0x1A750] =	vst v1;
	v1 =	vld [tilespmem:s23+$0x18770];
	_ =	sdelay $0x1  }
0x3f: {  	v0 =	vld.idx.msk [tilespmem:v0+s4+$0x0], $0xffff;
	_ =	sdelay $0x4  }
0x40: {  	[tilespmem:s23+$0x1A760] =	vst v0;
	v0 =	vld [tilespmem:s23+$0x18800]  }
0x41: {  	v1 =	vld.idx.msk [tilespmem:v1+s4+$0x0], $0xffff;
	_ =	sdelay $0x4  }
0x42: {  	[tilespmem:s23+$0x1A770] =	vst v1;
	v1 =	vld [tilespmem:s23+$0x18810];
	_ =	sdelay $0x1  }
0x43: {  	v0 =	vld.idx.msk [tilespmem:v0+s4+$0x0], $0xffff;
	_ =	sdelay $0x4  }
0x44: {  	[tilespmem:s23+$0x1A800] =	vst v0;
	v0 =	vld [tilespmem:s23+$0x18820]  }
0x45: {  	v1 =	vld.idx.msk [tilespmem:v1+s4+$0x0], $0xffff;
	_ =	sdelay $0x4  }
0x46: {  	[tilespmem:s23+$0x1A810] =	vst v1;
	v1 =	vld [tilespmem:s23+$0x18830];
	_ =	sdelay $0x1  }
0x47: {  	v0 =	vld.idx.msk [tilespmem:v0+s4+$0x0], $0xffff;
	_ =	sdelay $0x4  }
0x48: {  	[tilespmem:s23+$0x1A820] =	vst v0;
	v0 =	vld [tilespmem:s23+$0x18840]  }
0x49: {  	v1 =	vld.idx.msk [tilespmem:v1+s4+$0x0], $0xffff;
	_ =	sdelay $0x4  }
0x4a: {  	[tilespmem:s23+$0x1A830] =	vst v1;
	v1 =	vld [tilespmem:s23+$0x18850];
	_ =	sdelay $0x1  }
0x4b: {  	v0 =	vld.idx.msk [tilespmem:v0+s4+$0x0], $0xffff;
	_ =	sdelay $0x4  }
0x4c: {  	v2 =	vld [tilespmem:s23+$0x18860];
	[tilespmem:s23+$0x1A840] =	vst v0  }
0x4d: {  	v0 =	vld.idx.msk [tilespmem:v1+s4+$0x0], $0xffff;
	_ =	sdelay $0x4  }
0x4e: {  	[tilespmem:s23+$0x1A850] =	vst v0;
	v0 =	vld [tilespmem:s23+$0x18870];
	_ =	sdelay $0x1  }
0x4f: {  	v1 =	vld.idx.msk [tilespmem:v2+s4+$0x0], $0xffff;
	_ =	sdelay $0x3  }
0x50: {  	s26 =	simm.s32 $0x200;
	s25 =	simm.s32 $0x1000  }
.LBB2_7:
0x51: {  	p1 =	sne.s32 s25, $0x7800;
	v2 =	vld [tilespmem:s26+$0x18700];
	[tilespmem:s23+$0x1A860] =	vst v1  }
0x52: {  	v0 =	vld.idx.msk [tilespmem:v0+s4+$0x0], $0xffff;
	_ =	sdelay $0x5  }
0x53: {  	v1 =	vld [tilespmem:s26+$0x18710];
	[tilespmem:s23+$0x1A870] =	vst v0;
	s23 =	smov.u32 s26  }
0x54: {  	v0 =	vld.idx.msk [tilespmem:v2+s4+$0x0], $0xffff;
	_ =	sdelay $0x5  }
0x55: {  	[tilespmem:s23+$0x1A700] =	vst v0;
	v0 =	vld [tilespmem:s23+$0x18720]  }
0x56: {  	v1 =	vld.idx.msk [tilespmem:v1+s4+$0x0], $0xffff;
	_ =	sdelay $0x5  }
0x57: {  	[tilespmem:s23+$0x1A710] =	vst v1;
	v1 =	vld [tilespmem:s23+$0x18730]  }
0x58: {  	v0 =	vld.idx.msk [tilespmem:v0+s4+$0x0], $0xffff;
	_ =	sdelay $0x5  }
0x59: {  	[tilespmem:s23+$0x1A720] =	vst v0;
	v0 =	vld [tilespmem:s23+$0x18740]  }
0x5a: {  	v1 =	vld.idx.msk [tilespmem:v1+s4+$0x0], $0xffff;
	_ =	sdelay $0x5  }
0x5b: {  	[tilespmem:s23+$0x1A730] =	vst v1;
	v1 =	vld [tilespmem:s23+$0x18750]  }
0x5c: {  	v0 =	vld.idx.msk [tilespmem:v0+s4+$0x0], $0xffff;
	_ =	sdelay $0x5  }
0x5d: {  	[tilespmem:s23+$0x1A740] =	vst v0;
	v0 =	vld [tilespmem:s23+$0x18760]  }
0x5e: {  	v1 =	vld.idx.msk [tilespmem:v1+s4+$0x0], $0xffff;
	_ =	sdelay $0x5  }
0x5f: {  	[tilespmem:s23+$0x1A750] =	vst v1;
	v1 =	vld [tilespmem:s23+$0x18770]  }
0x60: {  	v0 =	vld.idx.msk [tilespmem:v0+s4+$0x0], $0xffff;
	_ =	sdelay $0x5  }
0x61: {  	[tilespmem:s23+$0x1A760] =	vst v0;
	v0 =	vld [tilespmem:s23+$0x18800]  }
0x62: {  	v1 =	vld.idx.msk [tilespmem:v1+s4+$0x0], $0xffff;
	_ =	sdelay $0x5  }
0x63: {  	[tilespmem:s23+$0x1A770] =	vst v1;
	v1 =	vld [tilespmem:s23+$0x18810]  }
0x64: {  	v0 =	vld.idx.msk [tilespmem:v0+s4+$0x0], $0xffff;
	_ =	sdelay $0x5  }
0x65: {  	[tilespmem:s23+$0x1A800] =	vst v0;
	v0 =	vld [tilespmem:s23+$0x18820]  }
0x66: {  	v1 =	vld.idx.msk [tilespmem:v1+s4+$0x0], $0xffff;
	_ =	sdelay $0x5  }
0x67: {  	[tilespmem:s23+$0x1A810] =	vst v1;
	v1 =	vld [tilespmem:s23+$0x18830]  }
0x68: {  	v0 =	vld.idx.msk [tilespmem:v0+s4+$0x0], $0xffff;
	_ =	sdelay $0x5  }
0x69: {  	[tilespmem:s23+$0x1A820] =	vst v0;
	v0 =	vld [tilespmem:s23+$0x18840]  }
0x6a: {  	v1 =	vld.idx.msk [tilespmem:v1+s4+$0x0], $0xffff;
	_ =	sdelay $0x5  }
0x6b: {  	[tilespmem:s23+$0x1A830] =	vst v1;
	v1 =	vld [tilespmem:s23+$0x18850]  }
0x6c: {  	v0 =	vld.idx.msk [tilespmem:v0+s4+$0x0], $0xffff;
	_ =	sdelay $0x5  }
0x6d: {  	[tilespmem:s23+$0x1A840] =	vst v0;
	v2 =	vld [tilespmem:s23+$0x18860]  }
0x6e: {  	v0 =	vld.idx.msk [tilespmem:v1+s4+$0x0], $0xffff;
	_ =	sdelay $0x5  }
0x6f: {  	[tilespmem:s23+$0x1A850] =	vst v0;
	v0 =	vld [tilespmem:s23+$0x18870]  }
0x70: {  	v1 =	vld.idx.msk [tilespmem:v2+s4+$0x0], $0xffff  }
.Ltmp2:
0x71: {  	(pc) =	sbr.rel @p1 .LBB2_7-.Ltmp2, $2  }
0x72: {  	_ =	sdelay $0x2  }
0x73: {  	s26 =	sshra.s32 s25, $0x2;
	s25 =	sadd.s32 $0x800, s25  }
0x74: {  	_ =	sdelay $0x1  }
0x75: {  	v2 =	vld [tilespmem:s26+$0x18700]  }
0x76: {  	[tilespmem:s23+$0x1A860] =	vst v1  }
0x77: {  	v0 =	vld.idx.msk [tilespmem:v0+s4+$0x0], $0xffff;
	_ =	sdelay $0x3  }
0x78: {  	v1 =	vld [tilespmem:s26+$0x18710]  }
0x79: {  	[tilespmem:s23+$0x1A870] =	vst v0  }
0x7a: {  	v0 =	vld.idx.msk [tilespmem:v2+s4+$0x0], $0xffff;
	_ =	sdelay $0x3  }
0x7b: {  	v50 =	vld [tilespmem:s26+$0x18720]  }
0x7c: {  	[tilespmem:s26+$0x1A700] =	vst v0  }
0x7d: {  	v1 =	vld.idx.msk [tilespmem:v1+s4+$0x0], $0xffff;
	_ =	sdelay $0x3  }
0x7e: {  	v51 =	vld [tilespmem:s26+$0x18730]  }
0x7f: {  	[tilespmem:s26+$0x1A710] =	vst v1  }
0x80: {  	v0 =	vld.idx.msk [tilespmem:v50+s4+$0x0], $0xffff;
	_ =	sdelay $0x3  }
0x81: {  	v52 =	vld [tilespmem:s26+$0x18740]  }
0x82: {  	[tilespmem:s26+$0x1A720] =	vst v0  }
0x83: {  	v1 =	vld.idx.msk [tilespmem:v51+s4+$0x0], $0xffff;
	_ =	sdelay $0x3  }
0x84: {  	v53 =	vld [tilespmem:s26+$0x18750]  }
0x85: {  	[tilespmem:s26+$0x1A730] =	vst v1  }
0x86: {  	v0 =	vld.idx.msk [tilespmem:v52+s4+$0x0], $0xffff;
	_ =	sdelay $0x3  }
0x87: {  	v54 =	vld [tilespmem:s26+$0x18760]  }
0x88: {  	[tilespmem:s26+$0x1A740] =	vst v0  }
0x89: {  	v1 =	vld.idx.msk [tilespmem:v53+s4+$0x0], $0xffff;
	_ =	sdelay $0x3  }
0x8a: {  	v55 =	vld [tilespmem:s26+$0x18770]  }
0x8b: {  	[tilespmem:s26+$0x1A750] =	vst v1  }
0x8c: {  	v0 =	vld.idx.msk [tilespmem:v54+s4+$0x0], $0xffff;
	_ =	sdelay $0x3  }
0x8d: {  	v56 =	vld [tilespmem:s26+$0x18800]  }
0x8e: {  	[tilespmem:s26+$0x1A760] =	vst v0  }
0x8f: {  	v1 =	vld.idx.msk [tilespmem:v55+s4+$0x0], $0xffff;
	_ =	sdelay $0x3  }
0x90: {  	v57 =	vld [tilespmem:s26+$0x18810]  }
0x91: {  	[tilespmem:s26+$0x1A770] =	vst v1  }
0x92: {  	v0 =	vld.idx.msk [tilespmem:v56+s4+$0x0], $0xffff;
	_ =	sdelay $0x3  }
0x93: {  	v58 =	vld [tilespmem:s26+$0x18820]  }
0x94: {  	[tilespmem:s26+$0x1A800] =	vst v0  }
0x95: {  	v1 =	vld.idx.msk [tilespmem:v57+s4+$0x0], $0xffff;
	_ =	sdelay $0x3  }
0x96: {  	v59 =	vld [tilespmem:s26+$0x18830]  }
0x97: {  	[tilespmem:s26+$0x1A810] =	vst v1  }
0x98: {  	v0 =	vld.idx.msk [tilespmem:v58+s4+$0x0], $0xffff;
	_ =	sdelay $0x3  }
0x99: {  	v60 =	vld [tilespmem:s26+$0x18840]  }
0x9a: {  	[tilespmem:s26+$0x1A820] =	vst v0  }
0x9b: {  	v1 =	vld.idx.msk [tilespmem:v59+s4+$0x0], $0xffff;
	_ =	sdelay $0x3  }
0x9c: {  	v61 =	vld [tilespmem:s26+$0x18850]  }
0x9d: {  	[tilespmem:s26+$0x1A830] =	vst v1  }
0x9e: {  	v0 =	vld.idx.msk [tilespmem:v60+s4+$0x0], $0xffff;
	_ =	sdelay $0x3  }
0x9f: {  	v62 =	vld [tilespmem:s26+$0x18860]  }
0xa0: {  	[tilespmem:s26+$0x1A840] =	vst v0  }
0xa1: {  	v1 =	vld.idx.msk [tilespmem:v61+s4+$0x0], $0xffff;
	_ =	sdelay $0x3  }
0xa2: {  	v63 =	vld [tilespmem:s26+$0x18870]  }
0xa3: {  	[tilespmem:s26+$0x1A850] =	vst v1  }
0xa4: {  	v0 =	vld.idx.msk [tilespmem:v62+s4+$0x0], $0xffff;
	_ =	sdelay $0x4  }
0xa5: {  	[tilespmem:s26+$0x1A860] =	vst v0  }
0xa6: {  	s31 =	sshll.u32 s22, $0x13;
	v0 =	vld.idx.msk [tilespmem:v63+s4+$0x0], $0xffff  }
0xa7: {  	s23 =	sor.u32 s31, s9  }
0xa8: {  	s23 =	sor.u32 s6, s23  }
0xa9: {  	s23 =	sshrl.u32 s23, $0x3  }
0xaa: {  	s28 =	simm.s32 $0x1A700;
	s25 =	sadd.s32 s3, s23  }
0xab: {  	s29 =	simm.s32 $0x1A800;
	s30 =	sadd.s32 $0x0, s25;
	[tilespmem:s26+$0x1A870] =	vst v0;
	s26 =	simm.s32 $0x80  }
.LBB2_9:
0xac: {  	[hbm4b:s30+s4] =	stream.linear.scatter [tilespmem:s28], [sflag:$0x2], $0x80, $0x38;
	[tilespmem:$0x1C700] =	vst v63  }
0xad: {  	s30 =	smov.u32 s26;
	s28 =	smov.u32 s29;
	p1 =	sne.s32 s26, $0xF80  }
.Ltmp3:
0xae: {  	s26 =	sadd.s32 $0x80, s26;
	(pc) =	sbr.rel @p1 .LBB2_9-.Ltmp3, $2  }
0xaf: {  	_ =	sdelay $0x2  }
0xb0: {  	s29 =	sadd.s32 $0x100, s29;
	s30 =	sadd.s32 s30, s25  }
0xb1: {  	[hbm4b:s30+s4] =	stream.linear.scatter [tilespmem:s28], [sflag:$0x2], $0x80, $0x38;
	[tilespmem:$0x1C700] =	vst v63  }
0xb2: {  	s25 =	sadd.s32 s24, s10;
	_ =	swait.ge [sflag:s19], $0x1000  }
0xb3: {  	s26 =	simm.s32 $0x18700;
	s28 =	simm.s32 $0x80;
	[sflag:s19] =	ssyncset.done $0x0  }
0xb4: {  	s29 =	simm.s32 $0x18800;
	s30 =	sadd.s32 $0x0, s25;
	[sflag:s19] =	ssyncadd.s32 $0xFFFFF000  }
.LBB2_11:
0xb5: {  	[tilespmem:s26], [sflag:$0x1] =	stream.linear.gather [hbm4b:s30+s4], $0x80, $0x38;
	[tilespmem:$0x1C700] =	vst v63  }
0xb6: {  	s30 =	smov.u32 s28;
	s26 =	smov.u32 s29;
	p1 =	sne.s32 s28, $0xF80  }
.Ltmp4:
0xb7: {  	s28 =	sadd.s32 $0x80, s28;
	(pc) =	sbr.rel @p1 .LBB2_11-.Ltmp4, $2  }
0xb8: {  	_ =	sdelay $0x2  }
0xb9: {  	s29 =	sadd.s32 $0x100, s29;
	s30 =	sadd.s32 s30, s25  }
0xba: {  	[tilespmem:s26], [sflag:$0x1] =	stream.linear.gather [hbm4b:s30+s4], $0x80, $0x38;
	[tilespmem:$0x1C700] =	vst v63  }
0xbb: {  	s25 =	simm.s32 @!p0 $0x2  }
0xbc: {  	_ =	swait.ge @!p0 [sflag:s25], $0x1000  }
0xbd: {  	[sflag:s25] =	ssyncset.done @!p0 $0x0  }
0xbe: {  	[sflag:s25] =	ssyncadd.s32 @!p0 $0xFFFFF000;
	s25 =	simm.s32 $0x0  }
0xbf: {  	v0 =	vld [tilespmem:s25+$0x18780];
	_ =	sdelay $0x5  }
0xc0: {  	v1 =	vld [tilespmem:s25+$0x18790];
	_ =	sdelay $0x1  }
0xc1: {  	v0 =	vld.idx.msk [tilespmem:v0+s4+$0x0], $0xffff;
	_ =	sdelay $0x4  }
0xc2: {  	[tilespmem:s25+$0x1A780] =	vst v0;
	v0 =	vld [tilespmem:s25+$0x187A0]  }
0xc3: {  	v1 =	vld.idx.msk [tilespmem:v1+s4+$0x0], $0xffff;
	_ =	sdelay $0x4  }
0xc4: {  	[tilespmem:s25+$0x1A790] =	vst v1;
	v1 =	vld [tilespmem:s25+$0x187B0];
	_ =	sdelay $0x1  }
0xc5: {  	v0 =	vld.idx.msk [tilespmem:v0+s4+$0x0], $0xffff;
	_ =	sdelay $0x4  }
0xc6: {  	[tilespmem:s25+$0x1A7A0] =	vst v0;
	v0 =	vld [tilespmem:s25+$0x187C0]  }
0xc7: {  	v1 =	vld.idx.msk [tilespmem:v1+s4+$0x0], $0xffff;
	_ =	sdelay $0x4  }
0xc8: {  	[tilespmem:s25+$0x1A7B0] =	vst v1;
	v1 =	vld [tilespmem:s25+$0x187D0];
	_ =	sdelay $0x1  }
0xc9: {  	v0 =	vld.idx.msk [tilespmem:v0+s4+$0x0], $0xffff;
	_ =	sdelay $0x4  }
0xca: {  	[tilespmem:s25+$0x1A7C0] =	vst v0;
	v0 =	vld [tilespmem:s25+$0x187E0]  }
0xcb: {  	v1 =	vld.idx.msk [tilespmem:v1+s4+$0x0], $0xffff;
	_ =	sdelay $0x4  }
0xcc: {  	[tilespmem:s25+$0x1A7D0] =	vst v1;
	v1 =	vld [tilespmem:s25+$0x187F0];
	_ =	sdelay $0x1  }
0xcd: {  	v0 =	vld.idx.msk [tilespmem:v0+s4+$0x0], $0xffff;
	_ =	sdelay $0x4  }
0xce: {  	[tilespmem:s25+$0x1A7E0] =	vst v0;
	v0 =	vld [tilespmem:s25+$0x18880]  }
0xcf: {  	v1 =	vld.idx.msk [tilespmem:v1+s4+$0x0], $0xffff;
	_ =	sdelay $0x4  }
0xd0: {  	[tilespmem:s25+$0x1A7F0] =	vst v1;
	v1 =	vld [tilespmem:s25+$0x18890];
	_ =	sdelay $0x1  }
0xd1: {  	v0 =	vld.idx.msk [tilespmem:v0+s4+$0x0], $0xffff;
	_ =	sdelay $0x4  }
0xd2: {  	[tilespmem:s25+$0x1A880] =	vst v0;
	v0 =	vld [tilespmem:s25+$0x188A0]  }
0xd3: {  	v1 =	vld.idx.msk [tilespmem:v1+s4+$0x0], $0xffff;
	_ =	sdelay $0x4  }
0xd4: {  	[tilespmem:s25+$0x1A890] =	vst v1;
	v1 =	vld [tilespmem:s25+$0x188B0];
	_ =	sdelay $0x1  }
0xd5: {  	v0 =	vld.idx.msk [tilespmem:v0+s4+$0x0], $0xffff;
	_ =	sdelay $0x4  }
0xd6: {  	[tilespmem:s25+$0x1A8A0] =	vst v0;
	v0 =	vld [tilespmem:s25+$0x188C0]  }
0xd7: {  	v1 =	vld.idx.msk [tilespmem:v1+s4+$0x0], $0xffff;
	_ =	sdelay $0x4  }
0xd8: {  	[tilespmem:s25+$0x1A8B0] =	vst v1;
	v1 =	vld [tilespmem:s25+$0x188D0];
	_ =	sdelay $0x1  }
0xd9: {  	v0 =	vld.idx.msk [tilespmem:v0+s4+$0x0], $0xffff;
	_ =	sdelay $0x4  }
0xda: {  	v2 =	vld [tilespmem:s25+$0x188E0];
	[tilespmem:s25+$0x1A8C0] =	vst v0  }
0xdb: {  	v0 =	vld.idx.msk [tilespmem:v1+s4+$0x0], $0xffff;
	_ =	sdelay $0x4  }
0xdc: {  	[tilespmem:s25+$0x1A8D0] =	vst v0;
	v0 =	vld [tilespmem:s25+$0x188F0];
	_ =	sdelay $0x1  }
0xdd: {  	v1 =	vld.idx.msk [tilespmem:v2+s4+$0x0], $0xffff;
	_ =	sdelay $0x3  }
0xde: {  	s28 =	simm.s32 $0x200;
	s26 =	simm.s32 $0x1000  }
.LBB2_13:
0xdf: {  	p0 =	sne.s32 s26, $0x7800;
	v2 =	vld [tilespmem:s28+$0x18780];
	[tilespmem:s25+$0x1A8E0] =	vst v1  }
0xe0: {  	v0 =	vld.idx.msk [tilespmem:v0+s4+$0x0], $0xffff;
	_ =	sdelay $0x5  }
0xe1: {  	v1 =	vld [tilespmem:s28+$0x18790];
	[tilespmem:s25+$0x1A8F0] =	vst v0;
	s25 =	smov.u32 s28  }
0xe2: {  	v0 =	vld.idx.msk [tilespmem:v2+s4+$0x0], $0xffff;
	_ =	sdelay $0x5  }
0xe3: {  	[tilespmem:s25+$0x1A780] =	vst v0;
	v0 =	vld [tilespmem:s25+$0x187A0]  }
0xe4: {  	v1 =	vld.idx.msk [tilespmem:v1+s4+$0x0], $0xffff;
	_ =	sdelay $0x5  }
0xe5: {  	[tilespmem:s25+$0x1A790] =	vst v1;
	v1 =	vld [tilespmem:s25+$0x187B0]  }
0xe6: {  	v0 =	vld.idx.msk [tilespmem:v0+s4+$0x0], $0xffff;
	_ =	sdelay $0x5  }
0xe7: {  	[tilespmem:s25+$0x1A7A0] =	vst v0;
	v0 =	vld [tilespmem:s25+$0x187C0]  }
0xe8: {  	v1 =	vld.idx.msk [tilespmem:v1+s4+$0x0], $0xffff;
	_ =	sdelay $0x5  }
0xe9: {  	[tilespmem:s25+$0x1A7B0] =	vst v1;
	v1 =	vld [tilespmem:s25+$0x187D0]  }
0xea: {  	v0 =	vld.idx.msk [tilespmem:v0+s4+$0x0], $0xffff;
	_ =	sdelay $0x5  }
0xeb: {  	[tilespmem:s25+$0x1A7C0] =	vst v0;
	v0 =	vld [tilespmem:s25+$0x187E0]  }
0xec: {  	v1 =	vld.idx.msk [tilespmem:v1+s4+$0x0], $0xffff;
	_ =	sdelay $0x5  }
0xed: {  	[tilespmem:s25+$0x1A7D0] =	vst v1;
	v1 =	vld [tilespmem:s25+$0x187F0]  }
0xee: {  	v0 =	vld.idx.msk [tilespmem:v0+s4+$0x0], $0xffff;
	_ =	sdelay $0x5  }
0xef: {  	[tilespmem:s25+$0x1A7E0] =	vst v0;
	v0 =	vld [tilespmem:s25+$0x18880]  }
0xf0: {  	v1 =	vld.idx.msk [tilespmem:v1+s4+$0x0], $0xffff;
	_ =	sdelay $0x5  }
0xf1: {  	[tilespmem:s25+$0x1A7F0] =	vst v1;
	v1 =	vld [tilespmem:s25+$0x18890]  }
0xf2: {  	v0 =	vld.idx.msk [tilespmem:v0+s4+$0x0], $0xffff;
	_ =	sdelay $0x5  }
0xf3: {  	[tilespmem:s25+$0x1A880] =	vst v0;
	v0 =	vld [tilespmem:s25+$0x188A0]  }
0xf4: {  	v1 =	vld.idx.msk [tilespmem:v1+s4+$0x0], $0xffff;
	_ =	sdelay $0x5  }
0xf5: {  	[tilespmem:s25+$0x1A890] =	vst v1;
	v1 =	vld [tilespmem:s25+$0x188B0]  }
0xf6: {  	v0 =	vld.idx.msk [tilespmem:v0+s4+$0x0], $0xffff;
	_ =	sdelay $0x5  }
0xf7: {  	[tilespmem:s25+$0x1A8A0] =	vst v0;
	v0 =	vld [tilespmem:s25+$0x188C0]  }
0xf8: {  	v1 =	vld.idx.msk [tilespmem:v1+s4+$0x0], $0xffff;
	_ =	sdelay $0x5  }
0xf9: {  	[tilespmem:s25+$0x1A8B0] =	vst v1;
	v1 =	vld [tilespmem:s25+$0x188D0]  }
0xfa: {  	v0 =	vld.idx.msk [tilespmem:v0+s4+$0x0], $0xffff;
	_ =	sdelay $0x5  }
0xfb: {  	[tilespmem:s25+$0x1A8C0] =	vst v0;
	v2 =	vld [tilespmem:s25+$0x188E0]  }
0xfc: {  	v0 =	vld.idx.msk [tilespmem:v1+s4+$0x0], $0xffff;
	_ =	sdelay $0x5  }
0xfd: {  	[tilespmem:s25+$0x1A8D0] =	vst v0;
	v0 =	vld [tilespmem:s25+$0x188F0]  }
0xfe: {  	v1 =	vld.idx.msk [tilespmem:v2+s4+$0x0], $0xffff  }
.Ltmp5:
0xff: {  	(pc) =	sbr.rel @p0 .LBB2_13-.Ltmp5, $2  }
0x100: {  	_ =	sdelay $0x2  }
0x101: {  	s28 =	sshra.s32 s26, $0x2;
	s26 =	sadd.s32 $0x800, s26  }
0x102: {  	_ =	sdelay $0x1  }
0x103: {  	v2 =	vld [tilespmem:s28+$0x18780]  }
0x104: {  	[tilespmem:s25+$0x1A8E0] =	vst v1  }
0x105: {  	v0 =	vld.idx.msk [tilespmem:v0+s4+$0x0], $0xffff;
	_ =	sdelay $0x3  }
0x106: {  	v1 =	vld [tilespmem:s28+$0x18790]  }
0x107: {  	[tilespmem:s25+$0x1A8F0] =	vst v0  }
0x108: {  	v0 =	vld.idx.msk [tilespmem:v2+s4+$0x0], $0xffff;
	_ =	sdelay $0x3  }
0x109: {  	v50 =	vld [tilespmem:s28+$0x187A0]  }
0x10a: {  	[tilespmem:s28+$0x1A780] =	vst v0  }
0x10b: {  	v1 =	vld.idx.msk [tilespmem:v1+s4+$0x0], $0xffff;
	_ =	sdelay $0x3  }
0x10c: {  	v51 =	vld [tilespmem:s28+$0x187B0]  }
0x10d: {  	[tilespmem:s28+$0x1A790] =	vst v1  }
0x10e: {  	v0 =	vld.idx.msk [tilespmem:v50+s4+$0x0], $0xffff;
	_ =	sdelay $0x3  }
0x10f: {  	v52 =	vld [tilespmem:s28+$0x187C0]  }
0x110: {  	[tilespmem:s28+$0x1A7A0] =	vst v0  }
0x111: {  	v1 =	vld.idx.msk [tilespmem:v51+s4+$0x0], $0xffff;
	_ =	sdelay $0x3  }
0x112: {  	v53 =	vld [tilespmem:s28+$0x187D0]  }
0x113: {  	[tilespmem:s28+$0x1A7B0] =	vst v1  }
0x114: {  	v0 =	vld.idx.msk [tilespmem:v52+s4+$0x0], $0xffff;
	_ =	sdelay $0x3  }
0x115: {  	v54 =	vld [tilespmem:s28+$0x187E0]  }
0x116: {  	[tilespmem:s28+$0x1A7C0] =	vst v0  }
0x117: {  	v1 =	vld.idx.msk [tilespmem:v53+s4+$0x0], $0xffff;
	_ =	sdelay $0x3  }
0x118: {  	v55 =	vld [tilespmem:s28+$0x187F0]  }
0x119: {  	[tilespmem:s28+$0x1A7D0] =	vst v1  }
0x11a: {  	v0 =	vld.idx.msk [tilespmem:v54+s4+$0x0], $0xffff;
	_ =	sdelay $0x3  }
0x11b: {  	v56 =	vld [tilespmem:s28+$0x18880]  }
0x11c: {  	[tilespmem:s28+$0x1A7E0] =	vst v0  }
0x11d: {  	v1 =	vld.idx.msk [tilespmem:v55+s4+$0x0], $0xffff;
	_ =	sdelay $0x3  }
0x11e: {  	v57 =	vld [tilespmem:s28+$0x18890]  }
0x11f: {  	[tilespmem:s28+$0x1A7F0] =	vst v1  }
0x120: {  	v0 =	vld.idx.msk [tilespmem:v56+s4+$0x0], $0xffff;
	_ =	sdelay $0x3  }
0x121: {  	v58 =	vld [tilespmem:s28+$0x188A0]  }
0x122: {  	[tilespmem:s28+$0x1A880] =	vst v0  }
0x123: {  	v1 =	vld.idx.msk [tilespmem:v57+s4+$0x0], $0xffff;
	_ =	sdelay $0x3  }
0x124: {  	v59 =	vld [tilespmem:s28+$0x188B0]  }
0x125: {  	[tilespmem:s28+$0x1A890] =	vst v1  }
0x126: {  	v0 =	vld.idx.msk [tilespmem:v58+s4+$0x0], $0xffff;
	_ =	sdelay $0x3  }
0x127: {  	v60 =	vld [tilespmem:s28+$0x188C0]  }
0x128: {  	[tilespmem:s28+$0x1A8A0] =	vst v0  }
0x129: {  	v1 =	vld.idx.msk [tilespmem:v59+s4+$0x0], $0xffff;
	_ =	sdelay $0x3  }
0x12a: {  	v61 =	vld [tilespmem:s28+$0x188D0]  }
0x12b: {  	[tilespmem:s28+$0x1A8B0] =	vst v1  }
0x12c: {  	v0 =	vld.idx.msk [tilespmem:v60+s4+$0x0], $0xffff;
	_ =	sdelay $0x3  }
0x12d: {  	v62 =	vld [tilespmem:s28+$0x188E0]  }
0x12e: {  	[tilespmem:s28+$0x1A8C0] =	vst v0  }
0x12f: {  	v1 =	vld.idx.msk [tilespmem:v61+s4+$0x0], $0xffff;
	_ =	sdelay $0x3  }
0x130: {  	v63 =	vld [tilespmem:s28+$0x188F0]  }
0x131: {  	[tilespmem:s28+$0x1A8D0] =	vst v1  }
0x132: {  	v0 =	vld.idx.msk [tilespmem:v62+s4+$0x0], $0xffff;
	_ =	sdelay $0x4  }
0x133: {  	[tilespmem:s28+$0x1A8E0] =	vst v0  }
0x134: {  	v0 =	vld.idx.msk [tilespmem:v63+s4+$0x0], $0xffff;
	_ =	sdelay $0x3  }
0x135: {  	s26 =	simm.s32 $0x1A780;
	s25 =	sadd.s32 s23, s11  }
0x136: {  	s29 =	simm.s32 $0x1A880;
	s30 =	sadd.s32 $0x0, s25;
	[tilespmem:s28+$0x1A8F0] =	vst v0;
	s28 =	simm.s32 $0x80  }
.LBB2_15:
0x137: {  	[hbm4b:s30+s4] =	stream.linear.scatter [tilespmem:s26], [sflag:$0x2], $0x80, $0x38;
	[tilespmem:$0x1C700] =	vst v63  }
0x138: {  	s30 =	smov.u32 s28;
	s26 =	smov.u32 s29;
	p0 =	sne.s32 s28, $0xF80  }
.Ltmp6:
0x139: {  	s28 =	sadd.s32 $0x80, s28;
	(pc) =	sbr.rel @p0 .LBB2_15-.Ltmp6, $2  }
0x13a: {  	_ =	sdelay $0x2  }
0x13b: {  	s29 =	sadd.s32 $0x100, s29;
	s30 =	sadd.s32 s30, s25  }
0x13c: {  	[hbm4b:s30+s4] =	stream.linear.scatter [tilespmem:s26], [sflag:$0x2], $0x80, $0x38;
	[tilespmem:$0x1C700] =	vst v63  }
0x13d: {  	s24 =	sadd.s32 s24, s12;
	_ =	swait.ge [sflag:s19], $0x1000  }
0x13e: {  	s25 =	simm.s32 $0x18780;
	s26 =	simm.s32 $0x80;
	[sflag:s19] =	ssyncset.done $0x0  }
0x13f: {  	s28 =	simm.s32 $0x18880;
	s29 =	sadd.s32 $0x0, s24;
	[sflag:s19] =	ssyncadd.s32 $0xFFFFF000  }
.LBB2_17:
0x140: {  	[tilespmem:s25], [sflag:$0x1] =	stream.linear.gather [hbm4b:s29+s4], $0x80, $0x38;
	[tilespmem:$0x1C700] =	vst v63  }
0x141: {  	s29 =	smov.u32 s26;
	s25 =	smov.u32 s28;
	p0 =	sne.s32 s26, $0xF80  }
.Ltmp7:
0x142: {  	s26 =	sadd.s32 $0x80, s26;
	(pc) =	sbr.rel @p0 .LBB2_17-.Ltmp7, $2  }
0x143: {  	_ =	sdelay $0x2  }
0x144: {  	s28 =	sadd.s32 $0x100, s28;
	s29 =	sadd.s32 s29, s24  }
0x145: {  	[tilespmem:s25], [sflag:$0x1] =	stream.linear.gather [hbm4b:s29+s4], $0x80, $0x38;
	[tilespmem:$0x1C700] =	vst v63  }
0x146: {  	_ =	swait.ge [sflag:s20], $0x1000  }
0x147: {  	[sflag:s20] =	ssyncset.done $0x0  }
0x148: {  	s24 =	simm.s32 $0x0;
	[sflag:s20] =	ssyncadd.s32 $0xFFFFF000  }
0x149: {  	v0 =	vld [tilespmem:s24+$0x18700];
	_ =	sdelay $0x5  }
0x14a: {  	v1 =	vld [tilespmem:s24+$0x18710];
	_ =	sdelay $0x1  }
0x14b: {  	v0 =	vld.idx.msk [tilespmem:v0+s4+$0x0], $0xffff;
	_ =	sdelay $0x4  }
0x14c: {  	[tilespmem:s24+$0x1A700] =	vst v0;
	v0 =	vld [tilespmem:s24+$0x18720]  }
0x14d: {  	v1 =	vld.idx.msk [tilespmem:v1+s4+$0x0], $0xffff;
	_ =	sdelay $0x4  }
0x14e: {  	[tilespmem:s24+$0x1A710] =	vst v1;
	v1 =	vld [tilespmem:s24+$0x18730];
	_ =	sdelay $0x1  }
0x14f: {  	v0 =	vld.idx.msk [tilespmem:v0+s4+$0x0], $0xffff;
	_ =	sdelay $0x4  }
0x150: {  	[tilespmem:s24+$0x1A720] =	vst v0;
	v0 =	vld [tilespmem:s24+$0x18740]  }
0x151: {  	v1 =	vld.idx.msk [tilespmem:v1+s4+$0x0], $0xffff;
	_ =	sdelay $0x4  }
0x152: {  	[tilespmem:s24+$0x1A730] =	vst v1;
	v1 =	vld [tilespmem:s24+$0x18750];
	_ =	sdelay $0x1  }
0x153: {  	v0 =	vld.idx.msk [tilespmem:v0+s4+$0x0], $0xffff;
	_ =	sdelay $0x4  }
0x154: {  	[tilespmem:s24+$0x1A740] =	vst v0;
	v0 =	vld [tilespmem:s24+$0x18760]  }
0x155: {  	v1 =	vld.idx.msk [tilespmem:v1+s4+$0x0], $0xffff;
	_ =	sdelay $0x4  }
0x156: {  	[tilespmem:s24+$0x1A750] =	vst v1;
	v1 =	vld [tilespmem:s24+$0x18770];
	_ =	sdelay $0x1  }
0x157: {  	v0 =	vld.idx.msk [tilespmem:v0+s4+$0x0], $0xffff;
	_ =	sdelay $0x4  }
0x158: {  	[tilespmem:s24+$0x1A760] =	vst v0;
	v0 =	vld [tilespmem:s24+$0x18800]  }
0x159: {  	v1 =	vld.idx.msk [tilespmem:v1+s4+$0x0], $0xffff;
	_ =	sdelay $0x4  }
0x15a: {  	[tilespmem:s24+$0x1A770] =	vst v1;
	v1 =	vld [tilespmem:s24+$0x18810];
	_ =	sdelay $0x1  }
0x15b: {  	v0 =	vld.idx.msk [tilespmem:v0+s4+$0x0], $0xffff;
	_ =	sdelay $0x4  }
0x15c: {  	[tilespmem:s24+$0x1A800] =	vst v0;
	v0 =	vld [tilespmem:s24+$0x18820]  }
0x15d: {  	v1 =	vld.idx.msk [tilespmem:v1+s4+$0x0], $0xffff;
	_ =	sdelay $0x4  }
0x15e: {  	[tilespmem:s24+$0x1A810] =	vst v1;
	v1 =	vld [tilespmem:s24+$0x18830];
	_ =	sdelay $0x1  }
0x15f: {  	v0 =	vld.idx.msk [tilespmem:v0+s4+$0x0], $0xffff;
	_ =	sdelay $0x4  }
0x160: {  	[tilespmem:s24+$0x1A820] =	vst v0;
	v0 =	vld [tilespmem:s24+$0x18840]  }
0x161: {  	v1 =	vld.idx.msk [tilespmem:v1+s4+$0x0], $0xffff;
	_ =	sdelay $0x4  }
0x162: {  	[tilespmem:s24+$0x1A830] =	vst v1;
	v1 =	vld [tilespmem:s24+$0x18850];
	_ =	sdelay $0x1  }
0x163: {  	v0 =	vld.idx.msk [tilespmem:v0+s4+$0x0], $0xffff;
	_ =	sdelay $0x4  }
0x164: {  	v2 =	vld [tilespmem:s24+$0x18860];
	[tilespmem:s24+$0x1A840] =	vst v0  }
0x165: {  	v0 =	vld.idx.msk [tilespmem:v1+s4+$0x0], $0xffff;
	_ =	sdelay $0x4  }
0x166: {  	[tilespmem:s24+$0x1A850] =	vst v0;
	v0 =	vld [tilespmem:s24+$0x18870];
	_ =	sdelay $0x1  }
0x167: {  	v1 =	vld.idx.msk [tilespmem:v2+s4+$0x0], $0xffff;
	_ =	sdelay $0x3  }
0x168: {  	s26 =	simm.s32 $0x200;
	s25 =	simm.s32 $0x1000  }
.LBB2_19:
0x169: {  	p0 =	sne.s32 s25, $0x7800;
	v2 =	vld [tilespmem:s26+$0x18700];
	[tilespmem:s24+$0x1A860] =	vst v1  }
0x16a: {  	v0 =	vld.idx.msk [tilespmem:v0+s4+$0x0], $0xffff;
	_ =	sdelay $0x5  }
0x16b: {  	v1 =	vld [tilespmem:s26+$0x18710];
	[tilespmem:s24+$0x1A870] =	vst v0;
	s24 =	smov.u32 s26  }
0x16c: {  	v0 =	vld.idx.msk [tilespmem:v2+s4+$0x0], $0xffff;
	_ =	sdelay $0x5  }
0x16d: {  	[tilespmem:s24+$0x1A700] =	vst v0;
	v0 =	vld [tilespmem:s24+$0x18720]  }
0x16e: {  	v1 =	vld.idx.msk [tilespmem:v1+s4+$0x0], $0xffff;
	_ =	sdelay $0x5  }
0x16f: {  	[tilespmem:s24+$0x1A710] =	vst v1;
	v1 =	vld [tilespmem:s24+$0x18730]  }
0x170: {  	v0 =	vld.idx.msk [tilespmem:v0+s4+$0x0], $0xffff;
	_ =	sdelay $0x5  }
0x171: {  	[tilespmem:s24+$0x1A720] =	vst v0;
	v0 =	vld [tilespmem:s24+$0x18740]  }
0x172: {  	v1 =	vld.idx.msk [tilespmem:v1+s4+$0x0], $0xffff;
	_ =	sdelay $0x5  }
0x173: {  	[tilespmem:s24+$0x1A730] =	vst v1;
	v1 =	vld [tilespmem:s24+$0x18750]  }
0x174: {  	v0 =	vld.idx.msk [tilespmem:v0+s4+$0x0], $0xffff;
	_ =	sdelay $0x5  }
0x175: {  	[tilespmem:s24+$0x1A740] =	vst v0;
	v0 =	vld [tilespmem:s24+$0x18760]  }
0x176: {  	v1 =	vld.idx.msk [tilespmem:v1+s4+$0x0], $0xffff;
	_ =	sdelay $0x5  }
0x177: {  	[tilespmem:s24+$0x1A750] =	vst v1;
	v1 =	vld [tilespmem:s24+$0x18770]  }
0x178: {  	v0 =	vld.idx.msk [tilespmem:v0+s4+$0x0], $0xffff;
	_ =	sdelay $0x5  }
0x179: {  	[tilespmem:s24+$0x1A760] =	vst v0;
	v0 =	vld [tilespmem:s24+$0x18800]  }
0x17a: {  	v1 =	vld.idx.msk [tilespmem:v1+s4+$0x0], $0xffff;
	_ =	sdelay $0x5  }
0x17b: {  	[tilespmem:s24+$0x1A770] =	vst v1;
	v1 =	vld [tilespmem:s24+$0x18810]  }
0x17c: {  	v0 =	vld.idx.msk [tilespmem:v0+s4+$0x0], $0xffff;
	_ =	sdelay $0x5  }
0x17d: {  	[tilespmem:s24+$0x1A800] =	vst v0;
	v0 =	vld [tilespmem:s24+$0x18820]  }
0x17e: {  	v1 =	vld.idx.msk [tilespmem:v1+s4+$0x0], $0xffff;
	_ =	sdelay $0x5  }
0x17f: {  	[tilespmem:s24+$0x1A810] =	vst v1;
	v1 =	vld [tilespmem:s24+$0x18830]  }
0x180: {  	v0 =	vld.idx.msk [tilespmem:v0+s4+$0x0], $0xffff;
	_ =	sdelay $0x5  }
0x181: {  	[tilespmem:s24+$0x1A820] =	vst v0;
	v0 =	vld [tilespmem:s24+$0x18840]  }
0x182: {  	v1 =	vld.idx.msk [tilespmem:v1+s4+$0x0], $0xffff;
	_ =	sdelay $0x5  }
0x183: {  	[tilespmem:s24+$0x1A830] =	vst v1;
	v1 =	vld [tilespmem:s24+$0x18850]  }
0x184: {  	v0 =	vld.idx.msk [tilespmem:v0+s4+$0x0], $0xffff;
	_ =	sdelay $0x5  }
0x185: {  	[tilespmem:s24+$0x1A840] =	vst v0;
	v2 =	vld [tilespmem:s24+$0x18860]  }
0x186: {  	v0 =	vld.idx.msk [tilespmem:v1+s4+$0x0], $0xffff;
	_ =	sdelay $0x5  }
0x187: {  	[tilespmem:s24+$0x1A850] =	vst v0;
	v0 =	vld [tilespmem:s24+$0x18870]  }
0x188: {  	v1 =	vld.idx.msk [tilespmem:v2+s4+$0x0], $0xffff  }
.Ltmp8:
0x189: {  	(pc) =	sbr.rel @p0 .LBB2_19-.Ltmp8, $2  }
0x18a: {  	_ =	sdelay $0x2  }
0x18b: {  	s26 =	sshra.s32 s25, $0x2;
	s25 =	sadd.s32 $0x800, s25  }
0x18c: {  	_ =	sdelay $0x1  }
0x18d: {  	v2 =	vld [tilespmem:s26+$0x18700]  }
0x18e: {  	[tilespmem:s24+$0x1A860] =	vst v1  }
0x18f: {  	v0 =	vld.idx.msk [tilespmem:v0+s4+$0x0], $0xffff;
	_ =	sdelay $0x3  }
0x190: {  	v1 =	vld [tilespmem:s26+$0x18710]  }
0x191: {  	[tilespmem:s24+$0x1A870] =	vst v0  }
0x192: {  	v0 =	vld.idx.msk [tilespmem:v2+s4+$0x0], $0xffff;
	_ =	sdelay $0x3  }
0x193: {  	v50 =	vld [tilespmem:s26+$0x18720]  }
0x194: {  	[tilespmem:s26+$0x1A700] =	vst v0  }
0x195: {  	v1 =	vld.idx.msk [tilespmem:v1+s4+$0x0], $0xffff;
	_ =	sdelay $0x3  }
0x196: {  	v51 =	vld [tilespmem:s26+$0x18730]  }
0x197: {  	[tilespmem:s26+$0x1A710] =	vst v1  }
0x198: {  	v0 =	vld.idx.msk [tilespmem:v50+s4+$0x0], $0xffff;
	_ =	sdelay $0x3  }
0x199: {  	v52 =	vld [tilespmem:s26+$0x18740]  }
0x19a: {  	[tilespmem:s26+$0x1A720] =	vst v0  }
0x19b: {  	v1 =	vld.idx.msk [tilespmem:v51+s4+$0x0], $0xffff;
	_ =	sdelay $0x3  }
0x19c: {  	v53 =	vld [tilespmem:s26+$0x18750]  }
0x19d: {  	[tilespmem:s26+$0x1A730] =	vst v1  }
0x19e: {  	v0 =	vld.idx.msk [tilespmem:v52+s4+$0x0], $0xffff;
	_ =	sdelay $0x3  }
0x19f: {  	v54 =	vld [tilespmem:s26+$0x18760]  }
0x1a0: {  	[tilespmem:s26+$0x1A740] =	vst v0  }
0x1a1: {  	v1 =	vld.idx.msk [tilespmem:v53+s4+$0x0], $0xffff;
	_ =	sdelay $0x3  }
0x1a2: {  	v55 =	vld [tilespmem:s26+$0x18770]  }
0x1a3: {  	[tilespmem:s26+$0x1A750] =	vst v1  }
0x1a4: {  	v0 =	vld.idx.msk [tilespmem:v54+s4+$0x0], $0xffff;
	_ =	sdelay $0x3  }
0x1a5: {  	v56 =	vld [tilespmem:s26+$0x18800]  }
0x1a6: {  	[tilespmem:s26+$0x1A760] =	vst v0  }
0x1a7: {  	v1 =	vld.idx.msk [tilespmem:v55+s4+$0x0], $0xffff;
	_ =	sdelay $0x3  }
0x1a8: {  	v57 =	vld [tilespmem:s26+$0x18810]  }
0x1a9: {  	[tilespmem:s26+$0x1A770] =	vst v1  }
0x1aa: {  	v0 =	vld.idx.msk [tilespmem:v56+s4+$0x0], $0xffff;
	_ =	sdelay $0x3  }
0x1ab: {  	v58 =	vld [tilespmem:s26+$0x18820]  }
0x1ac: {  	[tilespmem:s26+$0x1A800] =	vst v0  }
0x1ad: {  	v1 =	vld.idx.msk [tilespmem:v57+s4+$0x0], $0xffff;
	_ =	sdelay $0x3  }
0x1ae: {  	v59 =	vld [tilespmem:s26+$0x18830]  }
0x1af: {  	[tilespmem:s26+$0x1A810] =	vst v1  }
0x1b0: {  	v0 =	vld.idx.msk [tilespmem:v58+s4+$0x0], $0xffff;
	_ =	sdelay $0x3  }
0x1b1: {  	v60 =	vld [tilespmem:s26+$0x18840]  }
0x1b2: {  	[tilespmem:s26+$0x1A820] =	vst v0  }
0x1b3: {  	v1 =	vld.idx.msk [tilespmem:v59+s4+$0x0], $0xffff;
	_ =	sdelay $0x3  }
0x1b4: {  	v61 =	vld [tilespmem:s26+$0x18850]  }
0x1b5: {  	[tilespmem:s26+$0x1A830] =	vst v1  }
0x1b6: {  	v0 =	vld.idx.msk [tilespmem:v60+s4+$0x0], $0xffff;
	_ =	sdelay $0x3  }
0x1b7: {  	v62 =	vld [tilespmem:s26+$0x18860]  }
0x1b8: {  	[tilespmem:s26+$0x1A840] =	vst v0  }
0x1b9: {  	v1 =	vld.idx.msk [tilespmem:v61+s4+$0x0], $0xffff;
	_ =	sdelay $0x3  }
0x1ba: {  	v63 =	vld [tilespmem:s26+$0x18870]  }
0x1bb: {  	[tilespmem:s26+$0x1A850] =	vst v1  }
0x1bc: {  	v0 =	vld.idx.msk [tilespmem:v62+s4+$0x0], $0xffff;
	_ =	sdelay $0x4  }
0x1bd: {  	[tilespmem:s26+$0x1A860] =	vst v0  }
0x1be: {  	v0 =	vld.idx.msk [tilespmem:v63+s4+$0x0], $0xffff;
	_ =	sdelay $0x3  }
0x1bf: {  	s25 =	simm.s32 $0x1A700;
	s24 =	sadd.s32 s23, s13  }
0x1c0: {  	s28 =	simm.s32 $0x1A800;
	s29 =	sadd.s32 $0x0, s24;
	[tilespmem:s26+$0x1A870] =	vst v0;
	s26 =	simm.s32 $0x80  }
.LBB2_21:
0x1c1: {  	[hbm4b:s29+s4] =	stream.linear.scatter [tilespmem:s25], [sflag:$0x2], $0x80, $0x38;
	[tilespmem:$0x1C700] =	vst v63  }
0x1c2: {  	s29 =	smov.u32 s26;
	s25 =	smov.u32 s28;
	p0 =	sne.s32 s26, $0xF80  }
.Ltmp9:
0x1c3: {  	s26 =	sadd.s32 $0x80, s26;
	(pc) =	sbr.rel @p0 .LBB2_21-.Ltmp9, $2  }
0x1c4: {  	_ =	sdelay $0x2  }
0x1c5: {  	s28 =	sadd.s32 $0x100, s28;
	s29 =	sadd.s32 s29, s24  }
0x1c6: {  	[hbm4b:s29+s4] =	stream.linear.scatter [tilespmem:s25], [sflag:$0x2], $0x80, $0x38;
	[tilespmem:$0x1C700] =	vst v63  }
0x1c7: {  	_ =	swait.ge [sflag:s19], $0x1000  }
0x1c8: {  	[sflag:s19] =	ssyncset.done $0x0  }
0x1c9: {  	[sflag:s19] =	ssyncadd.s32 $0xFFFFF000  }
0x1ca: {  	_ =	swait.ge [sflag:s20], $0x1000  }
0x1cb: {  	[sflag:s20] =	ssyncset.done $0x0  }
0x1cc: {  	s24 =	simm.s32 $0x0;
	[sflag:s20] =	ssyncadd.s32 $0xFFFFF000  }
0x1cd: {  	v0 =	vld [tilespmem:s24+$0x18780];
	_ =	sdelay $0x5  }
0x1ce: {  	v1 =	vld [tilespmem:s24+$0x18790];
	_ =	sdelay $0x1  }
0x1cf: {  	v0 =	vld.idx.msk [tilespmem:v0+s4+$0x0], $0xffff;
	_ =	sdelay $0x4  }
0x1d0: {  	[tilespmem:s24+$0x1A780] =	vst v0;
	v0 =	vld [tilespmem:s24+$0x187A0]  }
0x1d1: {  	v1 =	vld.idx.msk [tilespmem:v1+s4+$0x0], $0xffff;
	_ =	sdelay $0x4  }
0x1d2: {  	[tilespmem:s24+$0x1A790] =	vst v1;
	v1 =	vld [tilespmem:s24+$0x187B0];
	_ =	sdelay $0x1  }
0x1d3: {  	v0 =	vld.idx.msk [tilespmem:v0+s4+$0x0], $0xffff;
	_ =	sdelay $0x4  }
0x1d4: {  	[tilespmem:s24+$0x1A7A0] =	vst v0;
	v0 =	vld [tilespmem:s24+$0x187C0]  }
0x1d5: {  	v1 =	vld.idx.msk [tilespmem:v1+s4+$0x0], $0xffff;
	_ =	sdelay $0x4  }
0x1d6: {  	[tilespmem:s24+$0x1A7B0] =	vst v1;
	v1 =	vld [tilespmem:s24+$0x187D0];
	_ =	sdelay $0x1  }
0x1d7: {  	v0 =	vld.idx.msk [tilespmem:v0+s4+$0x0], $0xffff;
	_ =	sdelay $0x4  }
0x1d8: {  	[tilespmem:s24+$0x1A7C0] =	vst v0;
	v0 =	vld [tilespmem:s24+$0x187E0]  }
0x1d9: {  	v1 =	vld.idx.msk [tilespmem:v1+s4+$0x0], $0xffff;
	_ =	sdelay $0x4  }
0x1da: {  	[tilespmem:s24+$0x1A7D0] =	vst v1;
	v1 =	vld [tilespmem:s24+$0x187F0];
	_ =	sdelay $0x1  }
0x1db: {  	v0 =	vld.idx.msk [tilespmem:v0+s4+$0x0], $0xffff;
	_ =	sdelay $0x4  }
0x1dc: {  	[tilespmem:s24+$0x1A7E0] =	vst v0;
	v0 =	vld [tilespmem:s24+$0x18880]  }
0x1dd: {  	v1 =	vld.idx.msk [tilespmem:v1+s4+$0x0], $0xffff;
	_ =	sdelay $0x4  }
0x1de: {  	[tilespmem:s24+$0x1A7F0] =	vst v1;
	v1 =	vld [tilespmem:s24+$0x18890];
	_ =	sdelay $0x1  }
0x1df: {  	v0 =	vld.idx.msk [tilespmem:v0+s4+$0x0], $0xffff;
	_ =	sdelay $0x4  }
0x1e0: {  	[tilespmem:s24+$0x1A880] =	vst v0;
	v0 =	vld [tilespmem:s24+$0x188A0]  }
0x1e1: {  	v1 =	vld.idx.msk [tilespmem:v1+s4+$0x0], $0xffff;
	_ =	sdelay $0x4  }
0x1e2: {  	[tilespmem:s24+$0x1A890] =	vst v1;
	v1 =	vld [tilespmem:s24+$0x188B0];
	_ =	sdelay $0x1  }
0x1e3: {  	v0 =	vld.idx.msk [tilespmem:v0+s4+$0x0], $0xffff;
	_ =	sdelay $0x4  }
0x1e4: {  	[tilespmem:s24+$0x1A8A0] =	vst v0;
	v0 =	vld [tilespmem:s24+$0x188C0]  }
0x1e5: {  	v1 =	vld.idx.msk [tilespmem:v1+s4+$0x0], $0xffff;
	_ =	sdelay $0x4  }
0x1e6: {  	[tilespmem:s24+$0x1A8B0] =	vst v1;
	v1 =	vld [tilespmem:s24+$0x188D0];
	_ =	sdelay $0x1  }
0x1e7: {  	v0 =	vld.idx.msk [tilespmem:v0+s4+$0x0], $0xffff;
	_ =	sdelay $0x4  }
0x1e8: {  	v2 =	vld [tilespmem:s24+$0x188E0];
	[tilespmem:s24+$0x1A8C0] =	vst v0  }
0x1e9: {  	v0 =	vld.idx.msk [tilespmem:v1+s4+$0x0], $0xffff;
	_ =	sdelay $0x4  }
0x1ea: {  	[tilespmem:s24+$0x1A8D0] =	vst v0;
	v0 =	vld [tilespmem:s24+$0x188F0];
	_ =	sdelay $0x1  }
0x1eb: {  	v1 =	vld.idx.msk [tilespmem:v2+s4+$0x0], $0xffff;
	_ =	sdelay $0x3  }
0x1ec: {  	s26 =	simm.s32 $0x200;
	s25 =	simm.s32 $0x1000  }
.LBB2_23:
0x1ed: {  	p0 =	sne.s32 s25, $0x7800;
	v2 =	vld [tilespmem:s26+$0x18780];
	[tilespmem:s24+$0x1A8E0] =	vst v1  }
0x1ee: {  	v0 =	vld.idx.msk [tilespmem:v0+s4+$0x0], $0xffff;
	_ =	sdelay $0x5  }
0x1ef: {  	v1 =	vld [tilespmem:s26+$0x18790];
	[tilespmem:s24+$0x1A8F0] =	vst v0;
	s24 =	smov.u32 s26  }
0x1f0: {  	v0 =	vld.idx.msk [tilespmem:v2+s4+$0x0], $0xffff;
	_ =	sdelay $0x5  }
0x1f1: {  	[tilespmem:s24+$0x1A780] =	vst v0;
	v0 =	vld [tilespmem:s24+$0x187A0]  }
0x1f2: {  	v1 =	vld.idx.msk [tilespmem:v1+s4+$0x0], $0xffff;
	_ =	sdelay $0x5  }
0x1f3: {  	[tilespmem:s24+$0x1A790] =	vst v1;
	v1 =	vld [tilespmem:s24+$0x187B0]  }
0x1f4: {  	v0 =	vld.idx.msk [tilespmem:v0+s4+$0x0], $0xffff;
	_ =	sdelay $0x5  }
0x1f5: {  	[tilespmem:s24+$0x1A7A0] =	vst v0;
	v0 =	vld [tilespmem:s24+$0x187C0]  }
0x1f6: {  	v1 =	vld.idx.msk [tilespmem:v1+s4+$0x0], $0xffff;
	_ =	sdelay $0x5  }
0x1f7: {  	[tilespmem:s24+$0x1A7B0] =	vst v1;
	v1 =	vld [tilespmem:s24+$0x187D0]  }
0x1f8: {  	v0 =	vld.idx.msk [tilespmem:v0+s4+$0x0], $0xffff;
	_ =	sdelay $0x5  }
0x1f9: {  	[tilespmem:s24+$0x1A7C0] =	vst v0;
	v0 =	vld [tilespmem:s24+$0x187E0]  }
0x1fa: {  	v1 =	vld.idx.msk [tilespmem:v1+s4+$0x0], $0xffff;
	_ =	sdelay $0x5  }
0x1fb: {  	[tilespmem:s24+$0x1A7D0] =	vst v1;
	v1 =	vld [tilespmem:s24+$0x187F0]  }
0x1fc: {  	v0 =	vld.idx.msk [tilespmem:v0+s4+$0x0], $0xffff;
	_ =	sdelay $0x5  }
0x1fd: {  	[tilespmem:s24+$0x1A7E0] =	vst v0;
	v0 =	vld [tilespmem:s24+$0x18880]  }
0x1fe: {  	v1 =	vld.idx.msk [tilespmem:v1+s4+$0x0], $0xffff;
	_ =	sdelay $0x5  }
0x1ff: {  	[tilespmem:s24+$0x1A7F0] =	vst v1;
	v1 =	vld [tilespmem:s24+$0x18890]  }
0x200: {  	v0 =	vld.idx.msk [tilespmem:v0+s4+$0x0], $0xffff;
	_ =	sdelay $0x5  }
0x201: {  	[tilespmem:s24+$0x1A880] =	vst v0;
	v0 =	vld [tilespmem:s24+$0x188A0]  }
0x202: {  	v1 =	vld.idx.msk [tilespmem:v1+s4+$0x0], $0xffff;
	_ =	sdelay $0x5  }
0x203: {  	[tilespmem:s24+$0x1A890] =	vst v1;
	v1 =	vld [tilespmem:s24+$0x188B0]  }
0x204: {  	v0 =	vld.idx.msk [tilespmem:v0+s4+$0x0], $0xffff;
	_ =	sdelay $0x5  }
0x205: {  	[tilespmem:s24+$0x1A8A0] =	vst v0;
	v0 =	vld [tilespmem:s24+$0x188C0]  }
0x206: {  	v1 =	vld.idx.msk [tilespmem:v1+s4+$0x0], $0xffff;
	_ =	sdelay $0x5  }
0x207: {  	[tilespmem:s24+$0x1A8B0] =	vst v1;
	v1 =	vld [tilespmem:s24+$0x188D0]  }
0x208: {  	v0 =	vld.idx.msk [tilespmem:v0+s4+$0x0], $0xffff;
	_ =	sdelay $0x5  }
0x209: {  	[tilespmem:s24+$0x1A8C0] =	vst v0;
	v2 =	vld [tilespmem:s24+$0x188E0]  }
0x20a: {  	v0 =	vld.idx.msk [tilespmem:v1+s4+$0x0], $0xffff;
	_ =	sdelay $0x5  }
0x20b: {  	[tilespmem:s24+$0x1A8D0] =	vst v0;
	v0 =	vld [tilespmem:s24+$0x188F0]  }
0x20c: {  	v1 =	vld.idx.msk [tilespmem:v2+s4+$0x0], $0xffff  }
.Ltmp10:
0x20d: {  	(pc) =	sbr.rel @p0 .LBB2_23-.Ltmp10, $2  }
0x20e: {  	_ =	sdelay $0x2  }
0x20f: {  	s26 =	sshra.s32 s25, $0x2;
	s25 =	sadd.s32 $0x800, s25  }
0x210: {  	_ =	sdelay $0x1  }
0x211: {  	v2 =	vld [tilespmem:s26+$0x18780]  }
0x212: {  	[tilespmem:s24+$0x1A8E0] =	vst v1  }
0x213: {  	v0 =	vld.idx.msk [tilespmem:v0+s4+$0x0], $0xffff;
	_ =	sdelay $0x3  }
0x214: {  	v1 =	vld [tilespmem:s26+$0x18790]  }
0x215: {  	[tilespmem:s24+$0x1A8F0] =	vst v0  }
0x216: {  	v0 =	vld.idx.msk [tilespmem:v2+s4+$0x0], $0xffff;
	_ =	sdelay $0x3  }
0x217: {  	v50 =	vld [tilespmem:s26+$0x187A0]  }
0x218: {  	[tilespmem:s26+$0x1A780] =	vst v0  }
0x219: {  	v1 =	vld.idx.msk [tilespmem:v1+s4+$0x0], $0xffff;
	_ =	sdelay $0x3  }
0x21a: {  	v51 =	vld [tilespmem:s26+$0x187B0]  }
0x21b: {  	[tilespmem:s26+$0x1A790] =	vst v1  }
0x21c: {  	v0 =	vld.idx.msk [tilespmem:v50+s4+$0x0], $0xffff;
	_ =	sdelay $0x3  }
0x21d: {  	v52 =	vld [tilespmem:s26+$0x187C0]  }
0x21e: {  	[tilespmem:s26+$0x1A7A0] =	vst v0  }
0x21f: {  	v1 =	vld.idx.msk [tilespmem:v51+s4+$0x0], $0xffff;
	_ =	sdelay $0x3  }
0x220: {  	v53 =	vld [tilespmem:s26+$0x187D0]  }
0x221: {  	[tilespmem:s26+$0x1A7B0] =	vst v1  }
0x222: {  	v0 =	vld.idx.msk [tilespmem:v52+s4+$0x0], $0xffff;
	_ =	sdelay $0x3  }
0x223: {  	v54 =	vld [tilespmem:s26+$0x187E0]  }
0x224: {  	[tilespmem:s26+$0x1A7C0] =	vst v0  }
0x225: {  	v1 =	vld.idx.msk [tilespmem:v53+s4+$0x0], $0xffff;
	_ =	sdelay $0x3  }
0x226: {  	v55 =	vld [tilespmem:s26+$0x187F0]  }
0x227: {  	[tilespmem:s26+$0x1A7D0] =	vst v1  }
0x228: {  	v0 =	vld.idx.msk [tilespmem:v54+s4+$0x0], $0xffff;
	_ =	sdelay $0x3  }
0x229: {  	v56 =	vld [tilespmem:s26+$0x18880]  }
0x22a: {  	[tilespmem:s26+$0x1A7E0] =	vst v0  }
0x22b: {  	v1 =	vld.idx.msk [tilespmem:v55+s4+$0x0], $0xffff;
	_ =	sdelay $0x3  }
0x22c: {  	v57 =	vld [tilespmem:s26+$0x18890]  }
0x22d: {  	[tilespmem:s26+$0x1A7F0] =	vst v1  }
0x22e: {  	v0 =	vld.idx.msk [tilespmem:v56+s4+$0x0], $0xffff;
	_ =	sdelay $0x3  }
0x22f: {  	v58 =	vld [tilespmem:s26+$0x188A0]  }
0x230: {  	[tilespmem:s26+$0x1A880] =	vst v0  }
0x231: {  	v1 =	vld.idx.msk [tilespmem:v57+s4+$0x0], $0xffff;
	_ =	sdelay $0x3  }
0x232: {  	v59 =	vld [tilespmem:s26+$0x188B0]  }
0x233: {  	[tilespmem:s26+$0x1A890] =	vst v1  }
0x234: {  	v0 =	vld.idx.msk [tilespmem:v58+s4+$0x0], $0xffff;
	_ =	sdelay $0x3  }
0x235: {  	v60 =	vld [tilespmem:s26+$0x188C0]  }
0x236: {  	[tilespmem:s26+$0x1A8A0] =	vst v0  }
0x237: {  	v1 =	vld.idx.msk [tilespmem:v59+s4+$0x0], $0xffff;
	_ =	sdelay $0x3  }
0x238: {  	v61 =	vld [tilespmem:s26+$0x188D0]  }
0x239: {  	[tilespmem:s26+$0x1A8B0] =	vst v1  }
0x23a: {  	v0 =	vld.idx.msk [tilespmem:v60+s4+$0x0], $0xffff;
	_ =	sdelay $0x3  }
0x23b: {  	v62 =	vld [tilespmem:s26+$0x188E0]  }
0x23c: {  	[tilespmem:s26+$0x1A8C0] =	vst v0  }
0x23d: {  	v1 =	vld.idx.msk [tilespmem:v61+s4+$0x0], $0xffff;
	_ =	sdelay $0x3  }
0x23e: {  	v63 =	vld [tilespmem:s26+$0x188F0]  }
0x23f: {  	[tilespmem:s26+$0x1A8D0] =	vst v1  }
0x240: {  	v0 =	vld.idx.msk [tilespmem:v62+s4+$0x0], $0xffff;
	_ =	sdelay $0x4  }
0x241: {  	[tilespmem:s26+$0x1A8E0] =	vst v0  }
0x242: {  	v0 =	vld.idx.msk [tilespmem:v63+s4+$0x0], $0xffff;
	_ =	sdelay $0x3  }
0x243: {  	s23 =	sadd.s32 s23, s14;
	s25 =	simm.s32 $0x80  }
0x244: {  	s28 =	sadd.s32 $0x0, s23;
	s24 =	simm.s32 $0x1A780;
	[tilespmem:s26+$0x1A8F0] =	vst v0;
	s26 =	simm.s32 $0x1A880  }
.LBB2_25:
0x245: {  	[hbm4b:s28+s4] =	stream.linear.scatter [tilespmem:s24], [sflag:$0x2], $0x80, $0x38;
	[tilespmem:$0x1C700] =	vst v63  }
0x246: {  	s28 =	smov.u32 s25;
	s24 =	smov.u32 s26;
	p0 =	sne.s32 s25, $0xF80  }
.Ltmp11:
0x247: {  	s25 =	sadd.s32 $0x80, s25;
	(pc) =	sbr.rel @p0 .LBB2_25-.Ltmp11, $2  }
0x248: {  	_ =	sdelay $0x2  }
0x249: {  	s26 =	sadd.s32 $0x100, s26;
	s28 =	sadd.s32 s28, s23  }
0x24a: {  	s22 =	sadd.s32 $0x1, s22  }
0x24b: {  	p0 =	sne.s32 s22, $0x1A  }
.Ltmp12:
0x24c: {  	_ = 	snop;
	(pc) =	sbr.rel @p0 .LBB2_2-.Ltmp12, $2  }
0x24d: {  	_ =	sdelay $0x2  }
0x24e: {  	[hbm4b:s28+s4] =	stream.linear.scatter [tilespmem:s24], [sflag:$0x2], $0x80, $0x38;
	[tilespmem:$0x1C700] =	vst v63  }
0x24f: {  	s21 =	sadd.s32 $0x1, s21  }
0x250: {  	_ =	swait.ge [sflag:s20], $0x1000;
	p0 =	sne.s32 s21, s15  }
.Ltmp13:
0x251: {  	[sflag:s20] =	ssyncset.done $0x0;
	(pc) =	sbr.rel @p0 .LBB2_1-.Ltmp13, $4  }
0x252: {  	[sflag:s20] =	ssyncadd.s32 $0xFFFFF000  }
0x253: {  	_ =	swait.ge [sflag:s20], $0x1000  }
0x254: {  	[sflag:s20] =	ssyncset.done $0x0  }
0x255: {  	[sflag:s20] =	ssyncadd.s32 $0xFFFFF000  }
0x256: {  	_ =	sfence.sel $0x180000  }
0x257: {  	[bflag:$0x0] =	sbarrier.arrive $0xFFFF  }
0x258: {  	p0 =	sne.s32 s5, $0x0;
	_ =	strace $0x90000047  }
0x259: {  	s0 =	sadd.s32 @!p0 $0x100000, s0;
	[bflag:$0x2] =	sbarrier.arrive $0xFFFF  }
0x25a: {  	[sflag:s0] =	ssyncadd.tile.s32 @!p0 $0x1;
	_ =	shalt  }
.Lfunc_end2:
_tile_overlayer_lowered:
.L_overlay_start_2:
0x25b: {  	(tag) =	ssettag $0x2  }
0x25c: {  	s0 =	rddreg [dreg:$0x0];
	s2 =	stileid.u32  }
0x25d: {  	s1 =	rddreg [dreg:$0x1];
	p0 =	sne.s32 s2, $0x0  }
0x25e: {  	s3 =	rddreg [dreg:$0x2];
	[bflag:$0x3] =	sbarrier.arrive $0xFFFF;
	s2 =	simm.s32 @!p0 $0x1C04  }
0x25f: {  	[timem:s3], [sflag:s2] =	dma.local @!p0 [hbm:s0], s1  }
0x260: {  	s0 =	simm.s32 @!p0 $0x4  }
0x261: {  	_ =	swait.ge @!p0 [sflag:s0], s1  }
0x262: {  	s1 =	ssub.s32 @!p0 $0x0, s1;
	[sflag:s0] =	ssyncset.done @!p0 $0x0  }
0x263: {  	[sflag:s0] =	ssyncadd.s32 @!p0 s1  }
0x264: {  	[bflag:$0x3] =	sbarrier.arrive $0xFFFF  }
0x265: {  	_ =	shalt  }

</sc_bundles>
